<compile_context>
chip_gen: v7x
topology: tpu7x:2x2x1
jax: 0.10.2.dev20260603
libtpu: 0.0.44.dev20260713+nightly
codegen_flags: <defaults>
</compile_context>

<pallas_src>
import functools

import jax
import jax.numpy as jnp
from jax import lax
from jax.experimental import pallas as pl
from jax.experimental.pallas import tpu as pltpu
from jax.experimental.pallas import tpu_sc as plsc

N = 50000
D_IN = 128
D_OUT = 128
B = 64
K = 32
BLK = 1024
NPAD = 52224
CH = 2048
NEG_INF = float("-inf")


def _score_count_body(x_ref, pos_ref, wx_ref, wp_ref, batch_ref, s_ref,
                      cnt_ref):
    i = pl.program_id(0)
    s_ref[...] = (
        jnp.dot(x_ref[...], wx_ref[...], preferred_element_type=jnp.float32)
        + jnp.dot(pos_ref[...], wp_ref[...],
                  preferred_element_type=jnp.float32))
    gids = lax.broadcasted_iota(jnp.int32, (1, B), 1)
    part = jnp.sum((batch_ref[...] == gids).astype(jnp.int32), axis=0,
                   keepdims=True)
    row0 = (lax.broadcasted_iota(jnp.int32, (8, B), 0) == 0).astype(jnp.int32)
    upd = part * row0

    @pl.when(i == 0)
    def _():
        cnt_ref[...] = jnp.zeros_like(cnt_ref)

    cnt_ref[...] += upd


def _topk_gather_body(scores_hbm, counts_hbm, x_hbm, posp_hbm,
                      selx_hbm, selp_hbm, mask_hbm,
                      cnt_v, seg_v, idx_v, rowsx_v, rowsp_v, mask_v, sem):
    wid = lax.axis_index("s") * 2 + lax.axis_index("c")
    pltpu.sync_copy(counts_hbm, cnt_v.at[pl.ds(0, B)])
    iota16 = lax.iota(jnp.int32, 16)

    for t in range(2):
        g = wid + 32 * t
        seg_len = cnt_v[pl.ds(g, 16)][0]
        startf = jnp.float32(0)
        for j in range(4):
            v = cnt_v[pl.ds(j * 16, 16)].astype(jnp.float32)
            m = (j * 16 + iota16) < g
            startf = startf + jnp.sum(jnp.where(m, v, jnp.float32(0)))
        start = startf.astype(jnp.int32)
        end = start + seg_len
        astart = (start // 8) * 8
        total = end - astart
        nch = (total + CH - 1) // CH
        nv = (total + 15) // 16

        def stage(c, _):
            pltpu.sync_copy(scores_hbm.at[pl.ds(astart + c * CH, CH)],
                            seg_v.at[pl.ds(c * CH, CH)])
            return 0

        lax.fori_loop(0, nch, stage, 0)

        def maskpass(j, _):
            v = seg_v[pl.ds(j * 16, 16)]
            gx = astart + j * 16 + iota16
            ok = (gx >= start) & (gx < end)
            seg_v[pl.ds(j * 16, 16)] = jnp.where(ok, v, NEG_INF)
            return 0

        lax.fori_loop(0, nv, maskpass, 0)

        def round_body(r, carry):
            lo, hi = carry

            def maxpass(j, acc):
                return jnp.maximum(acc, seg_v[pl.ds(j * 16, 16)])

            acc = lax.fori_loop(0, nv, maxpass,
                                jnp.full((16,), NEG_INF, jnp.float32))
            mx = jnp.max(acc)

            def findpass(j, accmin):
                v = seg_v[pl.ds(j * 16, 16)]
                cand = jnp.where(v == mx, j * 16 + iota16,
                                 jnp.int32(1 << 30))
                return jnp.minimum(accmin, cand)

            accmin = lax.fori_loop(0, nv, findpass,
                                   jnp.full((16,), 1 << 30, jnp.int32))
            pos = jnp.minimum(jnp.min(accmin),
                              jnp.maximum(total - 1, jnp.int32(0)))
            gidx = jnp.minimum(astart + pos, jnp.int32(N - 1))
            lo = jnp.where(iota16 == r, gidx, lo)
            hi = jnp.where(iota16 == (r - 16), gidx, hi)
            jv = pos // 16
            v = seg_v[pl.ds(jv * 16, 16)]
            seg_v[pl.ds(jv * 16, 16)] = jnp.where(iota16 == (pos % 16),
                                                  NEG_INF, v)
            return (lo, hi)

        zero16 = jnp.zeros((16,), jnp.int32)
        idx_lo, idx_hi = lax.fori_loop(0, K, round_body, (zero16, zero16))
        idx_v[pl.ds(0, 16)] = idx_lo
        idx_v[pl.ds(16, 16)] = idx_hi

        mask_v[pl.ds(0, 16)] = (iota16 < seg_len).astype(jnp.float32)
        mask_v[pl.ds(16, 16)] = ((iota16 + 16) < seg_len).astype(jnp.float32)

        cx = pltpu.async_copy(x_hbm.at[idx_v], rowsx_v, sem)
        cp = pltpu.async_copy(posp_hbm.at[idx_v], rowsp_v, sem)
        cx.wait()
        cp.wait()
        pltpu.sync_copy(rowsx_v, selx_hbm.at[pl.ds(g * K, K)])
        pltpu.sync_copy(rowsp_v, selp_hbm.at[pl.ds(g * K, K)])
        pltpu.sync_copy(mask_v, mask_hbm.at[pl.ds(g * K, K)])


def _project_body(selx_ref, selp_ref, wx_ref, wp_ref, b_ref, mask_ref,
                  out_ref):
    h = (jnp.dot(selx_ref[...], wx_ref[...],
                 preferred_element_type=jnp.float32)
         + jnp.dot(selp_ref[...], wp_ref[...],
                   preferred_element_type=jnp.float32))
    out_ref[...] = (h + b_ref[...]) * mask_ref[...]


def kernel(x, pos, W, b, batch):
    f32 = jnp.float32
    x = x.astype(f32)
    pos = pos.astype(f32)
    W = W.astype(f32)
    posp = jnp.pad(pos, ((0, 0), (0, D_IN - 3)))
    wx = W[:D_IN, D_OUT - 1:D_OUT]
    wp = W[D_IN:D_IN + 3, D_OUT - 1:D_OUT]
    Wx = W[:D_IN, :]
    Wp = jnp.zeros((D_IN, D_OUT), f32).at[:3, :].set(W[D_IN:D_IN + 3, :])
    batch_p = jnp.full((NPAD, 1), B, jnp.int32)
    batch_p = batch_p.at[:N, 0].set(batch.astype(jnp.int32))

    nfull = (N - 1) // BLK

    scores, counts2d = pl.pallas_call(
        _score_count_body,
        grid=(NPAD // BLK,),
        in_specs=[
            pl.BlockSpec((BLK, D_IN), lambda i: (jnp.minimum(i, nfull), 0)),
            pl.BlockSpec((BLK, 3), lambda i: (jnp.minimum(i, nfull), 0)),
            pl.BlockSpec((D_IN, 1), lambda i: (0, 0)),
            pl.BlockSpec((3, 1), lambda i: (0, 0)),
            pl.BlockSpec((BLK, 1), lambda i: (i, 0)),
        ],
        out_specs=[
            pl.BlockSpec((BLK, 1), lambda i: (i, 0)),
            pl.BlockSpec((8, B), lambda i: (0, 0)),
        ],
        out_shape=[
            jax.ShapeDtypeStruct((NPAD, 1), f32),
            jax.ShapeDtypeStruct((8, B), jnp.int32),
        ],
    )(x, pos, wx, wp, batch_p)

    mesh = plsc.VectorSubcoreMesh(core_axis_name="c", subcore_axis_name="s")
    topk = functools.partial(
        pl.kernel,
        mesh=mesh,
        compiler_params=pltpu.CompilerParams(needs_layout_passes=False),
        out_type=[
            jax.ShapeDtypeStruct((B * K, D_IN), f32),
            jax.ShapeDtypeStruct((B * K, D_IN), f32),
            jax.ShapeDtypeStruct((B * K,), f32),
        ],
        scratch_types=[
            pltpu.VMEM((B + 16,), jnp.int32),
            pltpu.VMEM((28 * CH,), f32),
            pltpu.VMEM((K,), jnp.int32),
            pltpu.VMEM((K, D_IN), f32),
            pltpu.VMEM((K, D_IN), f32),
            pltpu.VMEM((K,), f32),
            pltpu.SemaphoreType.DMA,
        ],
    )(_topk_gather_body)
    selx, selp, maskv = topk(scores.reshape(NPAD), counts2d[0], x, posp)

    pooled2d = pl.pallas_call(
        _project_body,
        out_shape=jax.ShapeDtypeStruct((B * K, D_OUT), f32),
    )(selx, selp, Wx, Wp, b.astype(f32).reshape(1, D_OUT),
      maskv.reshape(B * K, 1))

    pooled = pooled2d.reshape(B, K * D_OUT)
    pos_out = jnp.zeros((B, 3), f32)
    batch_out = jnp.arange(B, dtype=jnp.int64)
    return (pooled, pos_out, batch_out)

# --- scband reference (transcript-rebuilt; emitter-appended) ---
"""Pipeline reference for scband-global-sort-pool-58231166599294 (READ-ONLY COPY).

The authoritative reference and input builder live on the scoring server;
editing this copy changes nothing except your own understanding.
"""

import jax, jax.numpy as jnp
import numpy as np

N = 50000
D_IN = 128
D_OUT = 128
B = 64
K = 32


def setup_inputs(seed: int = 0) -> dict:
    key = jax.random.key(seed)
    k1, k2, k3, k4 = jax.random.split(key, 4)
    x = jax.random.normal(k1, (N, D_IN), dtype=jnp.float32)
    pos = jax.random.normal(k2, (N, 3), dtype=jnp.float32)
    batch = jnp.sort(jax.random.randint(k3, (N,), 0, B, dtype=jnp.int64))
    W = jax.random.normal(k4, (D_IN + 3, D_OUT), dtype=jnp.float32) * 0.05
    b = jnp.zeros((D_OUT,), dtype=jnp.float32)
    return {"x": x, "pos": pos, "W": W, "b": b, "batch": batch}


def _global_sort_pool(h, batch):
    # Sort nodes within each graph by the last feature channel, descending,
    # keep top-K nodes per graph (zero-pad if fewer), flatten to [B, K*D].
    n = h.shape[0]
    d = h.shape[1]
    last = h[:, -1]
    order = jnp.lexsort((-last, batch))  # primary: batch asc, secondary: last desc
    sorted_batch = batch[order]
    counts = jnp.bincount(batch, length=B)
    starts = jnp.concatenate([jnp.zeros((1,), dtype=counts.dtype), jnp.cumsum(counts)[:-1]])
    rank = jnp.arange(n) - starts[sorted_batch]
    mask = rank < K
    vals = h[order] * mask[:, None].astype(h.dtype)
    rank_c = jnp.clip(rank, 0, K - 1)
    out = jnp.zeros((B, K, d), dtype=h.dtype)
    out = out.at[sorted_batch, rank_c].add(vals)
    return out.reshape(B, K * d)


def reference(x, pos, W, b, batch):
    h = jnp.concatenate([x, pos], axis=1) @ W + b  # self.nn(cat([x, pos]))
    pooled = _global_sort_pool(h, batch)
    pos_out = jnp.zeros((pooled.shape[0], 3), dtype=pos.dtype)
    batch_out = jnp.arange(pooled.shape[0], dtype=jnp.int64)
    return (pooled, pos_out, batch_out)

if __name__ == "__main__":
    import jax
    _d = setup_inputs()
    print(jax.jit(kernel)(*tuple(_d.values())))

</pallas_src>

<mosaic_0001>
#map = affine_map<(d0, d1) -> (0)>
#map1 = affine_map<(d0, d1) -> (0, 0)>
module attributes {stable_mosaic.version = 14 : i64} {
  func.func @_topk_gather_body(%arg0: i32, %arg1: i32, %arg2: memref<52224xf32, #tpu.memory_space<hbm>>, %arg3: memref<64xi32, #tpu.memory_space<hbm>>, %arg4: memref<50000x128xf32, #tpu.memory_space<hbm>>, %arg5: memref<50000x128xf32, #tpu.memory_space<hbm>>, %arg6: memref<2048x128xf32, #tpu.memory_space<hbm>>, %arg7: memref<2048x128xf32, #tpu.memory_space<hbm>>, %arg8: memref<2048xf32, #tpu.memory_space<hbm>>, %arg9: memref<80xi32, #tpu.memory_space<vmem>>, %arg10: memref<57344xf32, #tpu.memory_space<vmem>>, %arg11: memref<32xi32, #tpu.memory_space<vmem>>, %arg12: memref<32x128xf32, #tpu.memory_space<vmem>>, %arg13: memref<32x128xf32, #tpu.memory_space<vmem>>, %arg14: memref<32xf32, #tpu.memory_space<vmem>>, %arg15: memref<!tpu.dma_semaphore, #tpu.memory_space<semaphore_mem>>) attributes {dimension_semantics = [#tpu.dimension_semantics<core_parallel>, #tpu.dimension_semantics<subcore_parallel>], iteration_bounds = array<i64: 2, 16>, scalar_prefetch = 0 : i64, scratch_operands = 7 : i64, tpu.core_type = #tpu.core_type<sc_vector_subcore>, window_params = [{transform_indices = #map}, {transform_indices = #map}, {transform_indices = #map1}, {transform_indices = #map1}, {transform_indices = #map1}, {transform_indices = #map1}, {transform_indices = #map}]} {
    %mul3A = arith.constant 2 : i32
    %mul3A_0 = arith.muli %arg1, %mul3A : i32
    %add3A = arith.addi %mul3A_0, %arg0 : i32
    "tpu.region"() ({
      %run_scoped3A = tpu.sem_alloc : memref<!tpu.dma_semaphore, #tpu.memory_space<semaphore_mem>>
      %dma_start3A_427 = arith.constant 0 : i32
      %dma_start3A_428 = tpu.memref_slice %arg9[%dma_start3A_427] : memref<80xi32, #tpu.memory_space<vmem>> -> memref<64xi32, #tpu.memory_space<vmem>>
      %dma_start3A_429 = arith.constant 0 : i32
      %dma_start3A_430 = tpu.memref_slice %arg9[%dma_start3A_429] : memref<80xi32, #tpu.memory_space<vmem>> -> memref<64xi32, #tpu.memory_space<vmem>>
      tpu.enqueue_dma source(%arg3 : memref<64xi32, #tpu.memory_space<hbm>>) target(%dma_start3A_430 : memref<64xi32, #tpu.memory_space<vmem>>) target_semaphore(%run_scoped3A : memref<!tpu.dma_semaphore, #tpu.memory_space<semaphore_mem>>)
      %dma_wait3A_431 = arith.constant 0 : i32
      %dma_wait3A_432 = tpu.memref_slice %arg9[%dma_wait3A_431] : memref<80xi32, #tpu.memory_space<vmem>> -> memref<64xi32, #tpu.memory_space<vmem>>
      %dma_wait3A_433 = arith.constant 0 : i32
      %dma_wait3A_434 = tpu.memref_slice %arg9[%dma_wait3A_433] : memref<80xi32, #tpu.memory_space<vmem>> -> memref<64xi32, #tpu.memory_space<vmem>>
      tpu.wait_dma2 semaphore(%run_scoped3A : memref<!tpu.dma_semaphore, #tpu.memory_space<semaphore_mem>>) src(%arg3 : memref<64xi32, #tpu.memory_space<hbm>>) dst(%dma_wait3A_434 : memref<64xi32, #tpu.memory_space<vmem>>)
      tpu.yield
    }) : () -> ()
    %iota3A = tpu.iota {dimensions = array<i32: 0>} : vector<16xi32>
    %add3A_1 = arith.constant 0 : i32
    %add3A_2 = arith.addi %add3A, %add3A_1 : i32
    %get3A = arith.index_cast %add3A_2 : i32 to index
    %get3A_3 = tpu.vector_load %arg9[%get3A] {strides = array<i32>} : memref<80xi32, #tpu.memory_space<vmem>>, vector<16xi32>,
    %slice3A = vector.extract_strided_slice %get3A_3 {offsets = [0], sizes = [1], strides = [1]} : vector<16xi32> to vector<1xi32>
    %squeeze3A = vector.extract %slice3A[0] : i32 from vector<1xi32>
    %get3A_4 = arith.constant 0 : index
    %get3A_5 = tpu.vector_load %arg9[%get3A_4] {strides = array<i32>} : memref<80xi32, #tpu.memory_space<vmem>>, vector<16xi32>,
    %convert_element_type3A = arith.sitofp %get3A_5 : vector<16xi32> to vector<16xf32>
    %add3A_6 = arith.constant 0 : i32
    %add3A_7 = vector.broadcast %add3A_6 : i32 to vector<16xi32>
    %add3A_8 = arith.addi %add3A_7, %iota3A : vector<16xi32>
    %lt3A = vector.broadcast %add3A_2 : i32 to vector<16xi32>
    %lt3A_9 = arith.cmpi slt, %add3A_8, %lt3A : vector<16xi32>
    %jit3A = arith.constant 0.000000e+00 : f32
    %broadcast_in_dim3A = vector.broadcast %jit3A : f32 to vector<16xf32>
    %select_n3A = arith.select %lt3A_9, %convert_element_type3A, %broadcast_in_dim3A : vector<16xi1>, vector<16xf32>
    %reduce_sum3A = arith.constant true
    %reduce_sum3A_10 = vector.broadcast %reduce_sum3A : i1 to vector<16xi1>
    %reduce_sum3A_11 = tpu.scan <sum>, %select_n3A masked %reduce_sum3A_10 : vector<16xf32>, vector<16xi1> -> vector<16xf32>
    %reduce_sum3A_12 = vector.extract %reduce_sum3A_11[15] : f32 from vector<16xf32>
    %add3A_13 = arith.constant 0.000000e+00 : f32
    %add3A_14 = arith.addf %add3A_13, %reduce_sum3A_12 : f32
    %get3A_15 = arith.constant 16 : index
    %get3A_16 = tpu.vector_load %arg9[%get3A_15] {strides = array<i32>} : memref<80xi32, #tpu.memory_space<vmem>>, vector<16xi32>,
    %convert_element_type3A_17 = arith.sitofp %get3A_16 : vector<16xi32> to vector<16xf32>
    %add3A_18 = arith.constant 16 : i32
    %add3A_19 = vector.broadcast %add3A_18 : i32 to vector<16xi32>
    %add3A_20 = arith.addi %add3A_19, %iota3A : vector<16xi32>
    %lt3A_21 = vector.broadcast %add3A_2 : i32 to vector<16xi32>
    %lt3A_22 = arith.cmpi slt, %add3A_20, %lt3A_21 : vector<16xi32>
    %jit3A_23 = arith.constant 0.000000e+00 : f32
    %broadcast_in_dim3A_24 = vector.broadcast %jit3A_23 : f32 to vector<16xf32>
    %select_n3A_25 = arith.select %lt3A_22, %convert_element_type3A_17, %broadcast_in_dim3A_24 : vector<16xi1>, vector<16xf32>
    %reduce_sum3A_26 = arith.constant true
    %reduce_sum3A_27 = vector.broadcast %reduce_sum3A_26 : i1 to vector<16xi1>
    %reduce_sum3A_28 = tpu.scan <sum>, %select_n3A_25 masked %reduce_sum3A_27 : vector<16xf32>, vector<16xi1> -> vector<16xf32>
    %reduce_sum3A_29 = vector.extract %reduce_sum3A_28[15] : f32 from vector<16xf32>
    %add3A_30 = arith.addf %add3A_14, %reduce_sum3A_29 : f32
    %get3A_31 = arith.constant 32 : index
    %get3A_32 = tpu.vector_load %arg9[%get3A_31] {strides = array<i32>} : memref<80xi32, #tpu.memory_space<vmem>>, vector<16xi32>,
    %convert_element_type3A_33 = arith.sitofp %get3A_32 : vector<16xi32> to vector<16xf32>
    %add3A_34 = arith.constant 32 : i32
    %add3A_35 = vector.broadcast %add3A_34 : i32 to vector<16xi32>
    %add3A_36 = arith.addi %add3A_35, %iota3A : vector<16xi32>
    %lt3A_37 = vector.broadcast %add3A_2 : i32 to vector<16xi32>
    %lt3A_38 = arith.cmpi slt, %add3A_36, %lt3A_37 : vector<16xi32>
    %jit3A_39 = arith.constant 0.000000e+00 : f32
    %broadcast_in_dim3A_40 = vector.broadcast %jit3A_39 : f32 to vector<16xf32>
    %select_n3A_41 = arith.select %lt3A_38, %convert_element_type3A_33, %broadcast_in_dim3A_40 : vector<16xi1>, vector<16xf32>
    %reduce_sum3A_42 = arith.constant true
    %reduce_sum3A_43 = vector.broadcast %reduce_sum3A_42 : i1 to vector<16xi1>
    %reduce_sum3A_44 = tpu.scan <sum>, %select_n3A_41 masked %reduce_sum3A_43 : vector<16xf32>, vector<16xi1> -> vector<16xf32>
    %reduce_sum3A_45 = vector.extract %reduce_sum3A_44[15] : f32 from vector<16xf32>
    %add3A_46 = arith.addf %add3A_30, %reduce_sum3A_45 : f32
    %get3A_47 = arith.constant 48 : index
    %get3A_48 = tpu.vector_load %arg9[%get3A_47] {strides = array<i32>} : memref<80xi32, #tpu.memory_space<vmem>>, vector<16xi32>,
    %convert_element_type3A_49 = arith.sitofp %get3A_48 : vector<16xi32> to vector<16xf32>
    %add3A_50 = arith.constant 48 : i32
    %add3A_51 = vector.broadcast %add3A_50 : i32 to vector<16xi32>
    %add3A_52 = arith.addi %add3A_51, %iota3A : vector<16xi32>
    %lt3A_53 = vector.broadcast %add3A_2 : i32 to vector<16xi32>
    %lt3A_54 = arith.cmpi slt, %add3A_52, %lt3A_53 : vector<16xi32>
    %jit3A_55 = arith.constant 0.000000e+00 : f32
    %broadcast_in_dim3A_56 = vector.broadcast %jit3A_55 : f32 to vector<16xf32>
    %select_n3A_57 = arith.select %lt3A_54, %convert_element_type3A_49, %broadcast_in_dim3A_56 : vector<16xi1>, vector<16xf32>
    %reduce_sum3A_58 = arith.constant true
    %reduce_sum3A_59 = vector.broadcast %reduce_sum3A_58 : i1 to vector<16xi1>
    %reduce_sum3A_60 = tpu.scan <sum>, %select_n3A_57 masked %reduce_sum3A_59 : vector<16xf32>, vector<16xi1> -> vector<16xf32>
    %reduce_sum3A_61 = vector.extract %reduce_sum3A_60[15] : f32 from vector<16xf32>
    %add3A_62 = arith.addf %add3A_46, %reduce_sum3A_61 : f32
    %convert_element_type3A_63 = arith.fptosi %add3A_62 : f32 to i32
    %add3A_64 = arith.addi %convert_element_type3A_63, %squeeze3A : i32
    %jit3A_65 = arith.constant 8 : i32
    %div3A = arith.divsi %convert_element_type3A_63, %jit3A_65 : i32
    %sign3A = arith.constant 0 : i32
    %sign3A_66 = arith.cmpi sgt, %convert_element_type3A_63, %sign3A : i32
    %sign3A_67 = arith.extui %sign3A_66 : i1 to i32
    %sign3A_68 = arith.constant 0 : i32
    %sign3A_69 = arith.cmpi slt, %convert_element_type3A_63, %sign3A_68 : i32
    %sign3A_70 = arith.extui %sign3A_69 : i1 to i32
    %sign3A_71 = arith.subi %sign3A_67, %sign3A_70 : i32
    %sign3A_72 = arith.constant 0 : i32
    %sign3A_73 = arith.cmpi sgt, %jit3A_65, %sign3A_72 : i32
    %sign3A_74 = arith.extui %sign3A_73 : i1 to i32
    %sign3A_75 = arith.constant 0 : i32
    %sign3A_76 = arith.cmpi slt, %jit3A_65, %sign3A_75 : i32
    %sign3A_77 = arith.extui %sign3A_76 : i1 to i32
    %sign3A_78 = arith.subi %sign3A_74, %sign3A_77 : i32
    %ne3A = arith.cmpi ne, %sign3A_71, %sign3A_78 : i32
    %rem3A = arith.remsi %convert_element_type3A_63, %jit3A_65 : i32
    %ne3A_79 = arith.constant 0 : i32
    %ne3A_80 = arith.cmpi ne, %rem3A, %ne3A_79 : i32
    %and3A = arith.andi %ne3A, %ne3A_80 : i1
    %sub3A = arith.constant 1 : i32
    %sub3A_81 = arith.subi %div3A, %sub3A : i32
    %select_n3A_82 = arith.select %and3A, %sub3A_81, %div3A : i32
    %mul3A_83 = arith.constant 8 : i32
    %mul3A_84 = arith.muli %select_n3A_82, %mul3A_83 : i32
    %sub3A_85 = arith.subi %add3A_64, %mul3A_84 : i32
    %add3A_86 = arith.constant 2048 : i32
    %add3A_87 = arith.addi %sub3A_85, %add3A_86 : i32
    %sub3A_88 = arith.constant 1 : i32
    %sub3A_89 = arith.subi %add3A_87, %sub3A_88 : i32
    %jit3A_90 = arith.constant 2048 : i32
    %div3A_91 = arith.divsi %sub3A_89, %jit3A_90 : i32
    %sign3A_92 = arith.constant 0 : i32
    %sign3A_93 = arith.cmpi sgt, %sub3A_89, %sign3A_92 : i32
    %sign3A_94 = arith.extui %sign3A_93 : i1 to i32
    %sign3A_95 = arith.constant 0 : i32
    %sign3A_96 = arith.cmpi slt, %sub3A_89, %sign3A_95 : i32
    %sign3A_97 = arith.extui %sign3A_96 : i1 to i32
    %sign3A_98 = arith.subi %sign3A_94, %sign3A_97 : i32
    %sign3A_99 = arith.constant 0 : i32
    %sign3A_100 = arith.cmpi sgt, %jit3A_90, %sign3A_99 : i32
    %sign3A_101 = arith.extui %sign3A_100 : i1 to i32
    %sign3A_102 = arith.constant 0 : i32
    %sign3A_103 = arith.cmpi slt, %jit3A_90, %sign3A_102 : i32
    %sign3A_104 = arith.extui %sign3A_103 : i1 to i32
    %sign3A_105 = arith.subi %sign3A_101, %sign3A_104 : i32
    %ne3A_106 = arith.cmpi ne, %sign3A_98, %sign3A_105 : i32
    %rem3A_107 = arith.remsi %sub3A_89, %jit3A_90 : i32
    %ne3A_108 = arith.constant 0 : i32
    %ne3A_109 = arith.cmpi ne, %rem3A_107, %ne3A_108 : i32
    %and3A_110 = arith.andi %ne3A_106, %ne3A_109 : i1
    %sub3A_111 = arith.constant 1 : i32
    %sub3A_112 = arith.subi %div3A_91, %sub3A_111 : i32
    %select_n3A_113 = arith.select %and3A_110, %sub3A_112, %div3A_91 : i32
    %add3A_114 = arith.constant 15 : i32
    %add3A_115 = arith.addi %sub3A_85, %add3A_114 : i32
    %jit3A_116 = arith.constant 16 : i32
    %div3A_117 = arith.divsi %add3A_115, %jit3A_116 : i32
    %sign3A_118 = arith.constant 0 : i32
    %sign3A_119 = arith.cmpi sgt, %add3A_115, %sign3A_118 : i32
    %sign3A_120 = arith.extui %sign3A_119 : i1 to i32
    %sign3A_121 = arith.constant 0 : i32
    %sign3A_122 = arith.cmpi slt, %add3A_115, %sign3A_121 : i32
    %sign3A_123 = arith.extui %sign3A_122 : i1 to i32
    %sign3A_124 = arith.subi %sign3A_120, %sign3A_123 : i32
    %sign3A_125 = arith.constant 0 : i32
    %sign3A_126 = arith.cmpi sgt, %jit3A_116, %sign3A_125 : i32
    %sign3A_127 = arith.extui %sign3A_126 : i1 to i32
    %sign3A_128 = arith.constant 0 : i32
    %sign3A_129 = arith.cmpi slt, %jit3A_116, %sign3A_128 : i32
    %sign3A_130 = arith.extui %sign3A_129 : i1 to i32
    %sign3A_131 = arith.subi %sign3A_127, %sign3A_130 : i32
    %ne3A_132 = arith.cmpi ne, %sign3A_124, %sign3A_131 : i32
    %rem3A_133 = arith.remsi %add3A_115, %jit3A_116 : i32
    %ne3A_134 = arith.constant 0 : i32
    %ne3A_135 = arith.cmpi ne, %rem3A_133, %ne3A_134 : i32
    %and3A_136 = arith.andi %ne3A_132, %ne3A_135 : i1
    %sub3A_137 = arith.constant 1 : i32
    %sub3A_138 = arith.subi %div3A_117, %sub3A_137 : i32
    %select_n3A_139 = arith.select %and3A_136, %sub3A_138, %div3A_117 : i32
    %while3A = arith.constant 0 : i32
    %while3A_140 = arith.constant 0 : i32
    %while3A_141 = arith.subi %select_n3A_113, %while3A : i32
    %while3A_142 = arith.addi %while3A, %while3A_141 : i32
    %while3A_143 = arith.constant 1 : i32
    %while3A_144 = arith.divsi %while3A_141, %while3A_143 : i32
    %while3A_145 = arith.muli %while3A_144, %while3A_143 : i32
    %while3A_146 = arith.addi %while3A, %while3A_145 : i32
    %while3A_147 = arith.constant 1 : i32
    %while3A_148 = scf.for %while3A_427 = %while3A to %while3A_146 step %while3A_147 iter_args(%while3A_428 = %while3A_140) -> (i32)  : i32 {
      %mul3A_429 = arith.constant 2048 : i32
      %mul3A_430 = arith.muli %while3A_427, %mul3A_429 : i32
      %add3A_431 = arith.addi %mul3A_84, %mul3A_430 : i32
      %mul3A_432 = arith.constant 2048 : i32
      %mul3A_433 = arith.muli %while3A_427, %mul3A_432 : i32
      "tpu.region"() ({
        %run_scoped3A = tpu.sem_alloc : memref<!tpu.dma_semaphore, #tpu.memory_space<semaphore_mem>>
        %dma_start3A_435 = tpu.memref_slice %arg10[%mul3A_433] : memref<57344xf32, #tpu.memory_space<vmem>> -> memref<2048xf32, #tpu.memory_space<vmem>>
        %dma_start3A_436 = tpu.memref_slice %arg2[%add3A_431] : memref<52224xf32, #tpu.memory_space<hbm>> -> memref<2048xf32, #tpu.memory_space<hbm>>
        %dma_start3A_437 = tpu.memref_slice %arg10[%mul3A_433] : memref<57344xf32, #tpu.memory_space<vmem>> -> memref<2048xf32, #tpu.memory_space<vmem>>
        %dma_start3A_438 = tpu.memref_slice %arg2[%add3A_431] : memref<52224xf32, #tpu.memory_space<hbm>> -> memref<2048xf32, #tpu.memory_space<hbm>>
        tpu.enqueue_dma source(%dma_start3A_438 : memref<2048xf32, #tpu.memory_space<hbm>>) target(%dma_start3A_437 : memref<2048xf32, #tpu.memory_space<vmem>>) target_semaphore(%run_scoped3A : memref<!tpu.dma_semaphore, #tpu.memory_space<semaphore_mem>>)
        %dma_wait3A_439 = tpu.memref_slice %arg10[%mul3A_433] : memref<57344xf32, #tpu.memory_space<vmem>> -> memref<2048xf32, #tpu.memory_space<vmem>>
        %dma_wait3A_440 = tpu.memref_slice %arg2[%add3A_431] : memref<52224xf32, #tpu.memory_space<hbm>> -> memref<2048xf32, #tpu.memory_space<hbm>>
        %dma_wait3A_441 = tpu.memref_slice %arg10[%mul3A_433] : memref<57344xf32, #tpu.memory_space<vmem>> -> memref<2048xf32, #tpu.memory_space<vmem>>
        %dma_wait3A_442 = tpu.memref_slice %arg2[%add3A_431] : memref<52224xf32, #tpu.memory_space<hbm>> -> memref<2048xf32, #tpu.memory_space<hbm>>
        tpu.wait_dma2 semaphore(%run_scoped3A : memref<!tpu.dma_semaphore, #tpu.memory_space<semaphore_mem>>) src(%dma_wait3A_442 : memref<2048xf32, #tpu.memory_space<hbm>>) dst(%dma_wait3A_441 : memref<2048xf32, #tpu.memory_space<vmem>>)
        tpu.yield
      }) : () -> ()
      %while3A_434 = arith.constant 0 : i32
      scf.yield %while3A_434 : i32
    }
    %while3A_149 = arith.constant 1 : i32
    %while3A_150 = scf.for %while3A_427 = %while3A_146 to %while3A_142 step %while3A_149 iter_args(%while3A_428 = %while3A_148) -> (i32)  : i32 {
      %mul3A_429 = arith.constant 2048 : i32
      %mul3A_430 = arith.muli %while3A_427, %mul3A_429 : i32
      %add3A_431 = arith.addi %mul3A_84, %mul3A_430 : i32
      %mul3A_432 = arith.constant 2048 : i32
      %mul3A_433 = arith.muli %while3A_427, %mul3A_432 : i32
      "tpu.region"() ({
        %run_scoped3A = tpu.sem_alloc : memref<!tpu.dma_semaphore, #tpu.memory_space<semaphore_mem>>
        %dma_start3A_435 = tpu.memref_slice %arg10[%mul3A_433] : memref<57344xf32, #tpu.memory_space<vmem>> -> memref<2048xf32, #tpu.memory_space<vmem>>
        %dma_start3A_436 = tpu.memref_slice %arg2[%add3A_431] : memref<52224xf32, #tpu.memory_space<hbm>> -> memref<2048xf32, #tpu.memory_space<hbm>>
        %dma_start3A_437 = tpu.memref_slice %arg10[%mul3A_433] : memref<57344xf32, #tpu.memory_space<vmem>> -> memref<2048xf32, #tpu.memory_space<vmem>>
        %dma_start3A_438 = tpu.memref_slice %arg2[%add3A_431] : memref<52224xf32, #tpu.memory_space<hbm>> -> memref<2048xf32, #tpu.memory_space<hbm>>
        tpu.enqueue_dma source(%dma_start3A_438 : memref<2048xf32, #tpu.memory_space<hbm>>) target(%dma_start3A_437 : memref<2048xf32, #tpu.memory_space<vmem>>) target_semaphore(%run_scoped3A : memref<!tpu.dma_semaphore, #tpu.memory_space<semaphore_mem>>)
        %dma_wait3A_439 = tpu.memref_slice %arg10[%mul3A_433] : memref<57344xf32, #tpu.memory_space<vmem>> -> memref<2048xf32, #tpu.memory_space<vmem>>
        %dma_wait3A_440 = tpu.memref_slice %arg2[%add3A_431] : memref<52224xf32, #tpu.memory_space<hbm>> -> memref<2048xf32, #tpu.memory_space<hbm>>
        %dma_wait3A_441 = tpu.memref_slice %arg10[%mul3A_433] : memref<57344xf32, #tpu.memory_space<vmem>> -> memref<2048xf32, #tpu.memory_space<vmem>>
        %dma_wait3A_442 = tpu.memref_slice %arg2[%add3A_431] : memref<52224xf32, #tpu.memory_space<hbm>> -> memref<2048xf32, #tpu.memory_space<hbm>>
        tpu.wait_dma2 semaphore(%run_scoped3A : memref<!tpu.dma_semaphore, #tpu.memory_space<semaphore_mem>>) src(%dma_wait3A_442 : memref<2048xf32, #tpu.memory_space<hbm>>) dst(%dma_wait3A_441 : memref<2048xf32, #tpu.memory_space<vmem>>)
        tpu.yield
      }) : () -> ()
      %while3A_434 = arith.constant 0 : i32
      scf.yield %while3A_434 : i32
    }
    %while3A_151 = arith.constant 0 : i32
    %while3A_152 = arith.constant 0 : i32
    %while3A_153 = arith.subi %select_n3A_139, %while3A_151 : i32
    %while3A_154 = arith.addi %while3A_151, %while3A_153 : i32
    %while3A_155 = arith.constant 1 : i32
    %while3A_156 = arith.divsi %while3A_153, %while3A_155 : i32
    %while3A_157 = arith.muli %while3A_156, %while3A_155 : i32
    %while3A_158 = arith.addi %while3A_151, %while3A_157 : i32
    %while3A_159 = arith.constant 1 : i32
    %while3A_160 = scf.for %while3A_427 = %while3A_151 to %while3A_158 step %while3A_159 iter_args(%while3A_428 = %while3A_152) -> (i32)  : i32 {
      %mul3A_429 = arith.constant 16 : i32
      %mul3A_430 = arith.muli %while3A_427, %mul3A_429 : i32
      %get3A_431 = arith.index_cast %mul3A_430 : i32 to index
      %get3A_432 = tpu.vector_load %arg10[%get3A_431] {strides = array<i32>} : memref<57344xf32, #tpu.memory_space<vmem>>, vector<16xf32>,
      %mul3A_433 = arith.constant 16 : i32
      %mul3A_434 = arith.muli %while3A_427, %mul3A_433 : i32
      %add3A_435 = arith.addi %mul3A_84, %mul3A_434 : i32
      %add3A_436 = vector.broadcast %add3A_435 : i32 to vector<16xi32>
      %add3A_437 = arith.addi %add3A_436, %iota3A : vector<16xi32>
      %ge3A = vector.broadcast %convert_element_type3A_63 : i32 to vector<16xi32>
      %ge3A_438 = arith.cmpi sge, %add3A_437, %ge3A : vector<16xi32>
      %lt3A_439 = vector.broadcast %add3A_64 : i32 to vector<16xi32>
      %lt3A_440 = arith.cmpi slt, %add3A_437, %lt3A_439 : vector<16xi32>
      %and3A_441 = arith.andi %ge3A_438, %lt3A_440 : vector<16xi1>
      %jit3A_442 = arith.constant 0xFF800000 : f32
      %broadcast_in_dim3A_443 = vector.broadcast %jit3A_442 : f32 to vector<16xf32>
      %select_n3A_444 = arith.select %and3A_441, %get3A_432, %broadcast_in_dim3A_443 : vector<16xi1>, vector<16xf32>
      %mul3A_445 = arith.constant 16 : i32
      %mul3A_446 = arith.muli %while3A_427, %mul3A_445 : i32
      %swap3A_447 = arith.index_cast %mul3A_446 : i32 to index
      %swap3A_448 = tpu.vector_load %arg10[%swap3A_447] {strides = array<i32>} : memref<57344xf32, #tpu.memory_space<vmem>>, vector<16xf32>,
      tpu.vector_store %arg10[%swap3A_447], %select_n3A_444 {strides = array<i32>} : memref<57344xf32, #tpu.memory_space<vmem>>, vector<16xf32>,
      %while3A_449 = arith.constant 0 : i32
      scf.yield %while3A_449 : i32
    }
    %while3A_161 = arith.constant 1 : i32
    %while3A_162 = scf.for %while3A_427 = %while3A_158 to %while3A_154 step %while3A_161 iter_args(%while3A_428 = %while3A_160) -> (i32)  : i32 {
      %mul3A_429 = arith.constant 16 : i32
      %mul3A_430 = arith.muli %while3A_427, %mul3A_429 : i32
      %get3A_431 = arith.index_cast %mul3A_430 : i32 to index
      %get3A_432 = tpu.vector_load %arg10[%get3A_431] {strides = array<i32>} : memref<57344xf32, #tpu.memory_space<vmem>>, vector<16xf32>,
      %mul3A_433 = arith.constant 16 : i32
      %mul3A_434 = arith.muli %while3A_427, %mul3A_433 : i32
      %add3A_435 = arith.addi %mul3A_84, %mul3A_434 : i32
      %add3A_436 = vector.broadcast %add3A_435 : i32 to vector<16xi32>
      %add3A_437 = arith.addi %add3A_436, %iota3A : vector<16xi32>
      %ge3A = vector.broadcast %convert_element_type3A_63 : i32 to vector<16xi32>
      %ge3A_438 = arith.cmpi sge, %add3A_437, %ge3A : vector<16xi32>
      %lt3A_439 = vector.broadcast %add3A_64 : i32 to vector<16xi32>
      %lt3A_440 = arith.cmpi slt, %add3A_437, %lt3A_439 : vector<16xi32>
      %and3A_441 = arith.andi %ge3A_438, %lt3A_440 : vector<16xi1>
      %jit3A_442 = arith.constant 0xFF800000 : f32
      %broadcast_in_dim3A_443 = vector.broadcast %jit3A_442 : f32 to vector<16xf32>
      %select_n3A_444 = arith.select %and3A_441, %get3A_432, %broadcast_in_dim3A_443 : vector<16xi1>, vector<16xf32>
      %mul3A_445 = arith.constant 16 : i32
      %mul3A_446 = arith.muli %while3A_427, %mul3A_445 : i32
      %swap3A_447 = arith.index_cast %mul3A_446 : i32 to index
      %swap3A_448 = tpu.vector_load %arg10[%swap3A_447] {strides = array<i32>} : memref<57344xf32, #tpu.memory_space<vmem>>, vector<16xf32>,
      tpu.vector_store %arg10[%swap3A_447], %select_n3A_444 {strides = array<i32>} : memref<57344xf32, #tpu.memory_space<vmem>>, vector<16xf32>,
      %while3A_449 = arith.constant 0 : i32
      scf.yield %while3A_449 : i32
    }
    %broadcast_in_dim3A_163 = arith.constant 0 : i32
    %broadcast_in_dim3A_164 = vector.broadcast %broadcast_in_dim3A_163 : i32 to vector<16xi32>
    %scan3A = arith.constant 0 : i32
    %scan3A_165 = arith.constant 32 : i32
    %scan3A_166 = arith.addi %scan3A, %scan3A_165 : i32
    %scan3A_167 = arith.constant 1 : i32
    %scan3A_168:2 = scf.for %scan3A_427 = %scan3A to %scan3A_166 step %scan3A_167 iter_args(%scan3A_428 = %broadcast_in_dim3A_164, %scan3A_429 = %broadcast_in_dim3A_164) -> (vector<16xi32>, vector<16xi32>)  : i32 {
      %broadcast_in_dim3A_430 = arith.constant 0xFF800000 : f32
      %broadcast_in_dim3A_431 = vector.broadcast %broadcast_in_dim3A_430 : f32 to vector<16xf32>
      %while3A_432 = arith.constant 0 : i32
      %while3A_433 = arith.subi %select_n3A_139, %while3A_432 : i32
      %while3A_434 = arith.addi %while3A_432, %while3A_433 : i32
      %while3A_435 = arith.constant 1 : i32
      %while3A_436 = arith.divsi %while3A_433, %while3A_435 : i32
      %while3A_437 = arith.muli %while3A_436, %while3A_435 : i32
      %while3A_438 = arith.addi %while3A_432, %while3A_437 : i32
      %while3A_439 = arith.constant 1 : i32
      %while3A_440 = scf.for %while3A_534 = %while3A_432 to %while3A_438 step %while3A_439 iter_args(%while3A_535 = %broadcast_in_dim3A_431) -> (vector<16xf32>)  : i32 {
        %mul3A_536 = arith.constant 16 : i32
        %mul3A_537 = arith.muli %while3A_534, %mul3A_536 : i32
        %get3A_538 = arith.index_cast %mul3A_537 : i32 to index
        %get3A_539 = tpu.vector_load %arg10[%get3A_538] {strides = array<i32>} : memref<57344xf32, #tpu.memory_space<vmem>>, vector<16xf32>,
        %max3A_540 = arith.maximumf %while3A_535, %get3A_539 : vector<16xf32>
        scf.yield %max3A_540 : vector<16xf32>
      }
      %while3A_441 = arith.constant 1 : i32
      %while3A_442 = scf.for %while3A_534 = %while3A_438 to %while3A_434 step %while3A_441 iter_args(%while3A_535 = %while3A_440) -> (vector<16xf32>)  : i32 {
        %mul3A_536 = arith.constant 16 : i32
        %mul3A_537 = arith.muli %while3A_534, %mul3A_536 : i32
        %get3A_538 = arith.index_cast %mul3A_537 : i32 to index
        %get3A_539 = tpu.vector_load %arg10[%get3A_538] {strides = array<i32>} : memref<57344xf32, #tpu.memory_space<vmem>>, vector<16xf32>,
        %max3A_540 = arith.maximumf %while3A_535, %get3A_539 : vector<16xf32>
        scf.yield %max3A_540 : vector<16xf32>
      }
      %reduce_max3A = arith.constant true
      %reduce_max3A_443 = vector.broadcast %reduce_max3A : i1 to vector<16xi1>
      %reduce_max3A_444 = tpu.scan <max>, %while3A_442 masked %reduce_max3A_443 : vector<16xf32>, vector<16xi1> -> vector<16xf32>
      %reduce_max3A_445 = vector.extract %reduce_max3A_444[15] : f32 from vector<16xf32>
      %broadcast_in_dim3A_446 = arith.constant 1073741824 : i32
      %broadcast_in_dim3A_447 = vector.broadcast %broadcast_in_dim3A_446 : i32 to vector<16xi32>
      %while3A_448 = arith.constant 0 : i32
      %while3A_449 = arith.subi %select_n3A_139, %while3A_448 : i32
      %while3A_450 = arith.addi %while3A_448, %while3A_449 : i32
      %while3A_451 = arith.constant 1 : i32
      %while3A_452 = arith.divsi %while3A_449, %while3A_451 : i32
      %while3A_453 = arith.muli %while3A_452, %while3A_451 : i32
      %while3A_454 = arith.addi %while3A_448, %while3A_453 : i32
      %while3A_455 = arith.constant 1 : i32
      %while3A_456 = scf.for %while3A_534 = %while3A_448 to %while3A_454 step %while3A_455 iter_args(%while3A_535 = %broadcast_in_dim3A_447) -> (vector<16xi32>)  : i32 {
        %mul3A_536 = arith.constant 16 : i32
        %mul3A_537 = arith.muli %while3A_534, %mul3A_536 : i32
        %get3A_538 = arith.index_cast %mul3A_537 : i32 to index
        %get3A_539 = tpu.vector_load %arg10[%get3A_538] {strides = array<i32>} : memref<57344xf32, #tpu.memory_space<vmem>>, vector<16xf32>,
        %eq3A_540 = vector.broadcast %reduce_max3A_445 : f32 to vector<16xf32>
        %eq3A_541 = arith.cmpf oeq, %get3A_539, %eq3A_540 : vector<16xf32>
        %mul3A_542 = arith.constant 16 : i32
        %mul3A_543 = arith.muli %while3A_534, %mul3A_542 : i32
        %add3A_544 = vector.broadcast %mul3A_543 : i32 to vector<16xi32>
        %add3A_545 = arith.addi %add3A_544, %iota3A : vector<16xi32>
        %jit3A_546 = arith.constant 1073741824 : i32
        %broadcast_in_dim3A_547 = vector.broadcast %jit3A_546 : i32 to vector<16xi32>
        %select_n3A_548 = arith.select %eq3A_541, %add3A_545, %broadcast_in_dim3A_547 : vector<16xi1>, vector<16xi32>
        %min3A_549 = arith.minsi %while3A_535, %select_n3A_548 : vector<16xi32>
        scf.yield %min3A_549 : vector<16xi32>
      }
      %while3A_457 = arith.constant 1 : i32
      %while3A_458 = scf.for %while3A_534 = %while3A_454 to %while3A_450 step %while3A_457 iter_args(%while3A_535 = %while3A_456) -> (vector<16xi32>)  : i32 {
        %mul3A_536 = arith.constant 16 : i32
        %mul3A_537 = arith.muli %while3A_534, %mul3A_536 : i32
        %get3A_538 = arith.index_cast %mul3A_537 : i32 to index
        %get3A_539 = tpu.vector_load %arg10[%get3A_538] {strides = array<i32>} : memref<57344xf32, #tpu.memory_space<vmem>>, vector<16xf32>,
        %eq3A_540 = vector.broadcast %reduce_max3A_445 : f32 to vector<16xf32>
        %eq3A_541 = arith.cmpf oeq, %get3A_539, %eq3A_540 : vector<16xf32>
        %mul3A_542 = arith.constant 16 : i32
        %mul3A_543 = arith.muli %while3A_534, %mul3A_542 : i32
        %add3A_544 = vector.broadcast %mul3A_543 : i32 to vector<16xi32>
        %add3A_545 = arith.addi %add3A_544, %iota3A : vector<16xi32>
        %jit3A_546 = arith.constant 1073741824 : i32
        %broadcast_in_dim3A_547 = vector.broadcast %jit3A_546 : i32 to vector<16xi32>
        %select_n3A_548 = arith.select %eq3A_541, %add3A_545, %broadcast_in_dim3A_547 : vector<16xi1>, vector<16xi32>
        %min3A_549 = arith.minsi %while3A_535, %select_n3A_548 : vector<16xi32>
        scf.yield %min3A_549 : vector<16xi32>
      }
      %reduce_min3A = arith.constant true
      %reduce_min3A_459 = vector.broadcast %reduce_min3A : i1 to vector<16xi1>
      %reduce_min3A_460 = arith.constant -2147483648 : i32
      %reduce_min3A_461 = vector.broadcast %reduce_min3A_460 : i32 to vector<16xi32>
      %reduce_min3A_462 = arith.xori %while3A_458, %reduce_min3A_461 : vector<16xi32>
      %reduce_min3A_463 = tpu.scan <min>, %reduce_min3A_462 masked %reduce_min3A_459 : vector<16xi32>, vector<16xi1> -> vector<16xi32>
      %reduce_min3A_464 = arith.xori %reduce_min3A_463, %reduce_min3A_461 : vector<16xi32>
      %reduce_min3A_465 = vector.extract %reduce_min3A_464[15] : i32 from vector<16xi32>
      %sub3A_466 = arith.constant 1 : i32
      %sub3A_467 = arith.subi %sub3A_85, %sub3A_466 : i32
      %max3A = arith.constant 0 : i32
      %max3A_468 = arith.maxsi %sub3A_467, %max3A : i32
      %min3A = arith.minsi %reduce_min3A_465, %max3A_468 : i32
      %add3A_469 = arith.addi %mul3A_84, %min3A : i32
      %min3A_470 = arith.constant 49999 : i32
      %min3A_471 = arith.minsi %add3A_469, %min3A_470 : i32
      %eq3A = vector.broadcast %scan3A_427 : i32 to vector<16xi32>
      %eq3A_472 = arith.cmpi eq, %iota3A, %eq3A : vector<16xi32>
      %broadcast_in_dim3A_473 = vector.broadcast %min3A_471 : i32 to vector<16xi32>
      %select_n3A_474 = arith.select %eq3A_472, %broadcast_in_dim3A_473, %scan3A_428 : vector<16xi1>, vector<16xi32>
      %sub3A_475 = arith.constant 16 : i32
      %sub3A_476 = arith.subi %scan3A_427, %sub3A_475 : i32
      %eq3A_477 = vector.broadcast %sub3A_476 : i32 to vector<16xi32>
      %eq3A_478 = arith.cmpi eq, %iota3A, %eq3A_477 : vector<16xi32>
      %broadcast_in_dim3A_479 = vector.broadcast %min3A_471 : i32 to vector<16xi32>
      %select_n3A_480 = arith.select %eq3A_478, %broadcast_in_dim3A_479, %scan3A_429 : vector<16xi1>, vector<16xi32>
      %jit3A_481 = arith.constant 16 : i32
      %div3A_482 = arith.divsi %min3A, %jit3A_481 : i32
      %sign3A_483 = arith.constant 0 : i32
      %sign3A_484 = arith.cmpi sgt, %min3A, %sign3A_483 : i32
      %sign3A_485 = arith.extui %sign3A_484 : i1 to i32
      %sign3A_486 = arith.constant 0 : i32
      %sign3A_487 = arith.cmpi slt, %min3A, %sign3A_486 : i32
      %sign3A_488 = arith.extui %sign3A_487 : i1 to i32
      %sign3A_489 = arith.subi %sign3A_485, %sign3A_488 : i32
      %sign3A_490 = arith.constant 0 : i32
      %sign3A_491 = arith.cmpi sgt, %jit3A_481, %sign3A_490 : i32
      %sign3A_492 = arith.extui %sign3A_491 : i1 to i32
      %sign3A_493 = arith.constant 0 : i32
      %sign3A_494 = arith.cmpi slt, %jit3A_481, %sign3A_493 : i32
      %sign3A_495 = arith.extui %sign3A_494 : i1 to i32
      %sign3A_496 = arith.subi %sign3A_492, %sign3A_495 : i32
      %ne3A_497 = arith.cmpi ne, %sign3A_489, %sign3A_496 : i32
      %rem3A_498 = arith.remsi %min3A, %jit3A_481 : i32
      %ne3A_499 = arith.constant 0 : i32
      %ne3A_500 = arith.cmpi ne, %rem3A_498, %ne3A_499 : i32
      %and3A_501 = arith.andi %ne3A_497, %ne3A_500 : i1
      %sub3A_502 = arith.constant 1 : i32
      %sub3A_503 = arith.subi %div3A_482, %sub3A_502 : i32
      %select_n3A_504 = arith.select %and3A_501, %sub3A_503, %div3A_482 : i32
      %mul3A_505 = arith.constant 16 : i32
      %mul3A_506 = arith.muli %select_n3A_504, %mul3A_505 : i32
      %get3A_507 = arith.index_cast %mul3A_506 : i32 to index
      %get3A_508 = tpu.vector_load %arg10[%get3A_507] {strides = array<i32>} : memref<57344xf32, #tpu.memory_space<vmem>>, vector<16xf32>,
      %jit3A_509 = arith.constant 16 : i32
      %eq3A_510 = arith.constant 0 : i32
      %eq3A_511 = arith.cmpi eq, %jit3A_509, %eq3A_510 : i32
      %jit3A_512 = arith.constant 1 : i32
      %select_n3A_513 = arith.select %eq3A_511, %jit3A_512, %jit3A_509 : i32
      %rem3A_514 = arith.remsi %min3A, %select_n3A_513 : i32
      %ne3A_515 = arith.constant 0 : i32
      %ne3A_516 = arith.cmpi ne, %rem3A_514, %ne3A_515 : i32
      %lt3A_517 = arith.constant 0 : i32
      %lt3A_518 = arith.cmpi slt, %rem3A_514, %lt3A_517 : i32
      %lt3A_519 = arith.constant 0 : i32
      %lt3A_520 = arith.cmpi slt, %select_n3A_513, %lt3A_519 : i32
      %ne3A_521 = arith.xori %lt3A_518, %lt3A_520 : i1
      %and3A_522 = arith.andi %ne3A_521, %ne3A_516 : i1
      %add3A_523 = arith.addi %rem3A_514, %select_n3A_513 : i32
      %select_n3A_524 = arith.select %and3A_522, %add3A_523, %rem3A_514 : i32
      %eq3A_525 = vector.broadcast %select_n3A_524 : i32 to vector<16xi32>
      %eq3A_526 = arith.cmpi eq, %iota3A, %eq3A_525 : vector<16xi32>
      %jit3A_527 = arith.constant 0xFF800000 : f32
      %broadcast_in_dim3A_528 = vector.broadcast %jit3A_527 : f32 to vector<16xf32>
      %select_n3A_529 = arith.select %eq3A_526, %broadcast_in_dim3A_528, %get3A_508 : vector<16xi1>, vector<16xf32>
      %mul3A_530 = arith.constant 16 : i32
      %mul3A_531 = arith.muli %select_n3A_504, %mul3A_530 : i32
      %swap3A_532 = arith.index_cast %mul3A_531 : i32 to index
      %swap3A_533 = tpu.vector_load %arg10[%swap3A_532] {strides = array<i32>} : memref<57344xf32, #tpu.memory_space<vmem>>, vector<16xf32>,
      tpu.vector_store %arg10[%swap3A_532], %select_n3A_529 {strides = array<i32>} : memref<57344xf32, #tpu.memory_space<vmem>>, vector<16xf32>,
      scf.yield %select_n3A_474, %select_n3A_480 : vector<16xi32>, vector<16xi32>
    }
    %scan3A_169 = arith.constant 32 : i32
    %swap3A = arith.constant 0 : index
    %swap3A_170 = tpu.vector_load %arg11[%swap3A] {strides = array<i32>} : memref<32xi32, #tpu.memory_space<vmem>>, vector<16xi32>,
    tpu.vector_store %arg11[%swap3A], %scan3A_168#0 {strides = array<i32>} : memref<32xi32, #tpu.memory_space<vmem>>, vector<16xi32>,
    %swap3A_171 = arith.constant 16 : index
    %swap3A_172 = tpu.vector_load %arg11[%swap3A_171] {strides = array<i32>} : memref<32xi32, #tpu.memory_space<vmem>>, vector<16xi32>,
    tpu.vector_store %arg11[%swap3A_171], %scan3A_168#1 {strides = array<i32>} : memref<32xi32, #tpu.memory_space<vmem>>, vector<16xi32>,
    %lt3A_173 = vector.broadcast %squeeze3A : i32 to vector<16xi32>
    %lt3A_174 = arith.cmpi slt, %iota3A, %lt3A_173 : vector<16xi32>
    %convert_element_type3A_175 = arith.extui %lt3A_174 : vector<16xi1> to vector<16xi32>
    %convert_element_type3A_176 = arith.sitofp %convert_element_type3A_175 : vector<16xi32> to vector<16xf32>
    %swap3A_177 = arith.constant 0 : index
    %swap3A_178 = tpu.vector_load %arg14[%swap3A_177] {strides = array<i32>} : memref<32xf32, #tpu.memory_space<vmem>>, vector<16xf32>,
    tpu.vector_store %arg14[%swap3A_177], %convert_element_type3A_176 {strides = array<i32>} : memref<32xf32, #tpu.memory_space<vmem>>, vector<16xf32>,
    %add3A_179 = arith.constant 16 : i32
    %add3A_180 = vector.broadcast %add3A_179 : i32 to vector<16xi32>
    %add3A_181 = arith.addi %iota3A, %add3A_180 : vector<16xi32>
    %lt3A_182 = vector.broadcast %squeeze3A : i32 to vector<16xi32>
    %lt3A_183 = arith.cmpi slt, %add3A_181, %lt3A_182 : vector<16xi32>
    %convert_element_type3A_184 = arith.extui %lt3A_183 : vector<16xi1> to vector<16xi32>
    %convert_element_type3A_185 = arith.sitofp %convert_element_type3A_184 : vector<16xi32> to vector<16xf32>
    %swap3A_186 = arith.constant 16 : index
    %swap3A_187 = tpu.vector_load %arg14[%swap3A_186] {strides = array<i32>} : memref<32xf32, #tpu.memory_space<vmem>>, vector<16xf32>,
    tpu.vector_store %arg14[%swap3A_186], %convert_element_type3A_185 {strides = array<i32>} : memref<32xf32, #tpu.memory_space<vmem>>, vector<16xf32>,
    %dma_start3A = arith.constant 0 : i32
    %dma_start3A_188 = arith.constant 0 : i32
    %dma_start3A_189 = tpu.memref_slice %arg4[%dma_start3A, %dma_start3A_188] : memref<50000x128xf32, #tpu.memory_space<hbm>> -> memref<50000x128xf32, #tpu.memory_space<hbm>>
    tpu.enqueue_indirect_dma source(%dma_start3A_189 : memref<50000x128xf32, #tpu.memory_space<hbm>>) target(%arg12 : memref<32x128xf32, #tpu.memory_space<vmem>>) offsets(%arg11 : memref<32xi32, #tpu.memory_space<vmem>>) semaphore(%arg15 : memref<!tpu.dma_semaphore, #tpu.memory_space<semaphore_mem>>)
    %dma_start3A_190 = arith.constant 0 : i32
    %dma_start3A_191 = arith.constant 0 : i32
    %dma_start3A_192 = tpu.memref_slice %arg5[%dma_start3A_190, %dma_start3A_191] : memref<50000x128xf32, #tpu.memory_space<hbm>> -> memref<50000x128xf32, #tpu.memory_space<hbm>>
    tpu.enqueue_indirect_dma source(%dma_start3A_192 : memref<50000x128xf32, #tpu.memory_space<hbm>>) target(%arg13 : memref<32x128xf32, #tpu.memory_space<vmem>>) offsets(%arg11 : memref<32xi32, #tpu.memory_space<vmem>>) semaphore(%arg15 : memref<!tpu.dma_semaphore, #tpu.memory_space<semaphore_mem>>)
    %dma_wait3A = arith.constant 0 : i32
    %dma_wait3A_193 = arith.constant 0 : i32
    %dma_wait3A_194 = tpu.memref_slice %arg4[%dma_wait3A, %dma_wait3A_193] : memref<50000x128xf32, #tpu.memory_space<hbm>> -> memref<50000x128xf32, #tpu.memory_space<hbm>>
    tpu.wait_indirect_dma semaphore(%arg15 : memref<!tpu.dma_semaphore, #tpu.memory_space<semaphore_mem>>) src(%dma_wait3A_194 : memref<50000x128xf32, #tpu.memory_space<hbm>>) dst(%arg12 : memref<32x128xf32, #tpu.memory_space<vmem>>)
    %dma_wait3A_195 = arith.constant 0 : i32
    %dma_wait3A_196 = arith.constant 0 : i32
    %dma_wait3A_197 = tpu.memref_slice %arg5[%dma_wait3A_195, %dma_wait3A_196] : memref<50000x128xf32, #tpu.memory_space<hbm>> -> memref<50000x128xf32, #tpu.memory_space<hbm>>
    tpu.wait_indirect_dma semaphore(%arg15 : memref<!tpu.dma_semaphore, #tpu.memory_space<semaphore_mem>>) src(%dma_wait3A_197 : memref<50000x128xf32, #tpu.memory_space<hbm>>) dst(%arg13 : memref<32x128xf32, #tpu.memory_space<vmem>>)
    %mul3A_198 = arith.constant 32 : i32
    %mul3A_199 = arith.muli %add3A_2, %mul3A_198 : i32
    "tpu.region"() ({
      %run_scoped3A = tpu.sem_alloc : memref<!tpu.dma_semaphore, #tpu.memory_space<semaphore_mem>>
      %dma_start3A_427 = arith.constant 0 : i32
      %dma_start3A_428 = tpu.memref_slice %arg6[%mul3A_199, %dma_start3A_427] : memref<2048x128xf32, #tpu.memory_space<hbm>> -> memref<32x128xf32, #tpu.memory_space<hbm>>
      %dma_start3A_429 = arith.constant 0 : i32
      %dma_start3A_430 = tpu.memref_slice %arg6[%mul3A_199, %dma_start3A_429] : memref<2048x128xf32, #tpu.memory_space<hbm>> -> memref<32x128xf32, #tpu.memory_space<hbm>>
      tpu.enqueue_dma source(%arg12 : memref<32x128xf32, #tpu.memory_space<vmem>>) target(%dma_start3A_430 : memref<32x128xf32, #tpu.memory_space<hbm>>) target_semaphore(%run_scoped3A : memref<!tpu.dma_semaphore, #tpu.memory_space<semaphore_mem>>)
      %dma_wait3A_431 = arith.constant 0 : i32
      %dma_wait3A_432 = tpu.memref_slice %arg6[%mul3A_199, %dma_wait3A_431] : memref<2048x128xf32, #tpu.memory_space<hbm>> -> memref<32x128xf32, #tpu.memory_space<hbm>>
      %dma_wait3A_433 = arith.constant 0 : i32
      %dma_wait3A_434 = tpu.memref_slice %arg6[%mul3A_199, %dma_wait3A_433] : memref<2048x128xf32, #tpu.memory_space<hbm>> -> memref<32x128xf32, #tpu.memory_space<hbm>>
      tpu.wait_dma2 semaphore(%run_scoped3A : memref<!tpu.dma_semaphore, #tpu.memory_space<semaphore_mem>>) src(%arg12 : memref<32x128xf32, #tpu.memory_space<vmem>>) dst(%dma_wait3A_434 : memref<32x128xf32, #tpu.memory_space<hbm>>)
      tpu.yield
    }) : () -> ()
    %mul3A_200 = arith.constant 32 : i32
    %mul3A_201 = arith.muli %add3A_2, %mul3A_200 : i32
    "tpu.region"() ({
      %run_scoped3A = tpu.sem_alloc : memref<!tpu.dma_semaphore, #tpu.memory_space<semaphore_mem>>
      %dma_start3A_427 = arith.constant 0 : i32
      %dma_start3A_428 = tpu.memref_slice %arg7[%mul3A_201, %dma_start3A_427] : memref<2048x128xf32, #tpu.memory_space<hbm>> -> memref<32x128xf32, #tpu.memory_space<hbm>>
      %dma_start3A_429 = arith.constant 0 : i32
      %dma_start3A_430 = tpu.memref_slice %arg7[%mul3A_201, %dma_start3A_429] : memref<2048x128xf32, #tpu.memory_space<hbm>> -> memref<32x128xf32, #tpu.memory_space<hbm>>
      tpu.enqueue_dma source(%arg13 : memref<32x128xf32, #tpu.memory_space<vmem>>) target(%dma_start3A_430 : memref<32x128xf32, #tpu.memory_space<hbm>>) target_semaphore(%run_scoped3A : memref<!tpu.dma_semaphore, #tpu.memory_space<semaphore_mem>>)
      %dma_wait3A_431 = arith.constant 0 : i32
      %dma_wait3A_432 = tpu.memref_slice %arg7[%mul3A_201, %dma_wait3A_431] : memref<2048x128xf32, #tpu.memory_space<hbm>> -> memref<32x128xf32, #tpu.memory_space<hbm>>
      %dma_wait3A_433 = arith.constant 0 : i32
      %dma_wait3A_434 = tpu.memref_slice %arg7[%mul3A_201, %dma_wait3A_433] : memref<2048x128xf32, #tpu.memory_space<hbm>> -> memref<32x128xf32, #tpu.memory_space<hbm>>
      tpu.wait_dma2 semaphore(%run_scoped3A : memref<!tpu.dma_semaphore, #tpu.memory_space<semaphore_mem>>) src(%arg13 : memref<32x128xf32, #tpu.memory_space<vmem>>) dst(%dma_wait3A_434 : memref<32x128xf32, #tpu.memory_space<hbm>>)
      tpu.yield
    }) : () -> ()
    %mul3A_202 = arith.constant 32 : i32
    %mul3A_203 = arith.muli %add3A_2, %mul3A_202 : i32
    "tpu.region"() ({
      %run_scoped3A = tpu.sem_alloc : memref<!tpu.dma_semaphore, #tpu.memory_space<semaphore_mem>>
      %dma_start3A_427 = tpu.memref_slice %arg8[%mul3A_203] : memref<2048xf32, #tpu.memory_space<hbm>> -> memref<32xf32, #tpu.memory_space<hbm>>
      %dma_start3A_428 = tpu.memref_slice %arg8[%mul3A_203] : memref<2048xf32, #tpu.memory_space<hbm>> -> memref<32xf32, #tpu.memory_space<hbm>>
      tpu.enqueue_dma source(%arg14 : memref<32xf32, #tpu.memory_space<vmem>>) target(%dma_start3A_428 : memref<32xf32, #tpu.memory_space<hbm>>) target_semaphore(%run_scoped3A : memref<!tpu.dma_semaphore, #tpu.memory_space<semaphore_mem>>)
      %dma_wait3A_429 = tpu.memref_slice %arg8[%mul3A_203] : memref<2048xf32, #tpu.memory_space<hbm>> -> memref<32xf32, #tpu.memory_space<hbm>>
      %dma_wait3A_430 = tpu.memref_slice %arg8[%mul3A_203] : memref<2048xf32, #tpu.memory_space<hbm>> -> memref<32xf32, #tpu.memory_space<hbm>>
      tpu.wait_dma2 semaphore(%run_scoped3A : memref<!tpu.dma_semaphore, #tpu.memory_space<semaphore_mem>>) src(%arg14 : memref<32xf32, #tpu.memory_space<vmem>>) dst(%dma_wait3A_430 : memref<32xf32, #tpu.memory_space<hbm>>)
      tpu.yield
    }) : () -> ()
    %add3A_204 = arith.constant 32 : i32
    %add3A_205 = arith.addi %add3A, %add3A_204 : i32
    %get3A_206 = arith.index_cast %add3A_205 : i32 to index
    %get3A_207 = tpu.vector_load %arg9[%get3A_206] {strides = array<i32>} : memref<80xi32, #tpu.memory_space<vmem>>, vector<16xi32>,
    %slice3A_208 = vector.extract_strided_slice %get3A_207 {offsets = [0], sizes = [1], strides = [1]} : vector<16xi32> to vector<1xi32>
    %squeeze3A_209 = vector.extract %slice3A_208[0] : i32 from vector<1xi32>
    %get3A_210 = arith.constant 0 : index
    %get3A_211 = tpu.vector_load %arg9[%get3A_210] {strides = array<i32>} : memref<80xi32, #tpu.memory_space<vmem>>, vector<16xi32>,
    %convert_element_type3A_212 = arith.sitofp %get3A_211 : vector<16xi32> to vector<16xf32>
    %add3A_213 = arith.constant 0 : i32
    %add3A_214 = vector.broadcast %add3A_213 : i32 to vector<16xi32>
    %add3A_215 = arith.addi %add3A_214, %iota3A : vector<16xi32>
    %lt3A_216 = vector.broadcast %add3A_205 : i32 to vector<16xi32>
    %lt3A_217 = arith.cmpi slt, %add3A_215, %lt3A_216 : vector<16xi32>
    %jit3A_218 = arith.constant 0.000000e+00 : f32
    %broadcast_in_dim3A_219 = vector.broadcast %jit3A_218 : f32 to vector<16xf32>
    %select_n3A_220 = arith.select %lt3A_217, %convert_element_type3A_212, %broadcast_in_dim3A_219 : vector<16xi1>, vector<16xf32>
    %reduce_sum3A_221 = arith.constant true
    %reduce_sum3A_222 = vector.broadcast %reduce_sum3A_221 : i1 to vector<16xi1>
    %reduce_sum3A_223 = tpu.scan <sum>, %select_n3A_220 masked %reduce_sum3A_222 : vector<16xf32>, vector<16xi1> -> vector<16xf32>
    %reduce_sum3A_224 = vector.extract %reduce_sum3A_223[15] : f32 from vector<16xf32>
    %add3A_225 = arith.constant 0.000000e+00 : f32
    %add3A_226 = arith.addf %add3A_225, %reduce_sum3A_224 : f32
    %get3A_227 = arith.constant 16 : index
    %get3A_228 = tpu.vector_load %arg9[%get3A_227] {strides = array<i32>} : memref<80xi32, #tpu.memory_space<vmem>>, vector<16xi32>,
    %convert_element_type3A_229 = arith.sitofp %get3A_228 : vector<16xi32> to vector<16xf32>
    %add3A_230 = arith.constant 16 : i32
    %add3A_231 = vector.broadcast %add3A_230 : i32 to vector<16xi32>
    %add3A_232 = arith.addi %add3A_231, %iota3A : vector<16xi32>
    %lt3A_233 = vector.broadcast %add3A_205 : i32 to vector<16xi32>
    %lt3A_234 = arith.cmpi slt, %add3A_232, %lt3A_233 : vector<16xi32>
    %jit3A_235 = arith.constant 0.000000e+00 : f32
    %broadcast_in_dim3A_236 = vector.broadcast %jit3A_235 : f32 to vector<16xf32>
    %select_n3A_237 = arith.select %lt3A_234, %convert_element_type3A_229, %broadcast_in_dim3A_236 : vector<16xi1>, vector<16xf32>
    %reduce_sum3A_238 = arith.constant true
    %reduce_sum3A_239 = vector.broadcast %reduce_sum3A_238 : i1 to vector<16xi1>
    %reduce_sum3A_240 = tpu.scan <sum>, %select_n3A_237 masked %reduce_sum3A_239 : vector<16xf32>, vector<16xi1> -> vector<16xf32>
    %reduce_sum3A_241 = vector.extract %reduce_sum3A_240[15] : f32 from vector<16xf32>
    %add3A_242 = arith.addf %add3A_226, %reduce_sum3A_241 : f32
    %get3A_243 = arith.constant 32 : index
    %get3A_244 = tpu.vector_load %arg9[%get3A_243] {strides = array<i32>} : memref<80xi32, #tpu.memory_space<vmem>>, vector<16xi32>,
    %convert_element_type3A_245 = arith.sitofp %get3A_244 : vector<16xi32> to vector<16xf32>
    %add3A_246 = arith.constant 32 : i32
    %add3A_247 = vector.broadcast %add3A_246 : i32 to vector<16xi32>
    %add3A_248 = arith.addi %add3A_247, %iota3A : vector<16xi32>
    %lt3A_249 = vector.broadcast %add3A_205 : i32 to vector<16xi32>
    %lt3A_250 = arith.cmpi slt, %add3A_248, %lt3A_249 : vector<16xi32>
    %jit3A_251 = arith.constant 0.000000e+00 : f32
    %broadcast_in_dim3A_252 = vector.broadcast %jit3A_251 : f32 to vector<16xf32>
    %select_n3A_253 = arith.select %lt3A_250, %convert_element_type3A_245, %broadcast_in_dim3A_252 : vector<16xi1>, vector<16xf32>
    %reduce_sum3A_254 = arith.constant true
    %reduce_sum3A_255 = vector.broadcast %reduce_sum3A_254 : i1 to vector<16xi1>
    %reduce_sum3A_256 = tpu.scan <sum>, %select_n3A_253 masked %reduce_sum3A_255 : vector<16xf32>, vector<16xi1> -> vector<16xf32>
    %reduce_sum3A_257 = vector.extract %reduce_sum3A_256[15] : f32 from vector<16xf32>
    %add3A_258 = arith.addf %add3A_242, %reduce_sum3A_257 : f32
    %get3A_259 = arith.constant 48 : index
    %get3A_260 = tpu.vector_load %arg9[%get3A_259] {strides = array<i32>} : memref<80xi32, #tpu.memory_space<vmem>>, vector<16xi32>,
    %convert_element_type3A_261 = arith.sitofp %get3A_260 : vector<16xi32> to vector<16xf32>
    %add3A_262 = arith.constant 48 : i32
    %add3A_263 = vector.broadcast %add3A_262 : i32 to vector<16xi32>
    %add3A_264 = arith.addi %add3A_263, %iota3A : vector<16xi32>
    %lt3A_265 = vector.broadcast %add3A_205 : i32 to vector<16xi32>
    %lt3A_266 = arith.cmpi slt, %add3A_264, %lt3A_265 : vector<16xi32>
    %jit3A_267 = arith.constant 0.000000e+00 : f32
    %broadcast_in_dim3A_268 = vector.broadcast %jit3A_267 : f32 to vector<16xf32>
    %select_n3A_269 = arith.select %lt3A_266, %convert_element_type3A_261, %broadcast_in_dim3A_268 : vector<16xi1>, vector<16xf32>
    %reduce_sum3A_270 = arith.constant true
    %reduce_sum3A_271 = vector.broadcast %reduce_sum3A_270 : i1 to vector<16xi1>
    %reduce_sum3A_272 = tpu.scan <sum>, %select_n3A_269 masked %reduce_sum3A_271 : vector<16xf32>, vector<16xi1> -> vector<16xf32>
    %reduce_sum3A_273 = vector.extract %reduce_sum3A_272[15] : f32 from vector<16xf32>
    %add3A_274 = arith.addf %add3A_258, %reduce_sum3A_273 : f32
    %convert_element_type3A_275 = arith.fptosi %add3A_274 : f32 to i32
    %add3A_276 = arith.addi %convert_element_type3A_275, %squeeze3A_209 : i32
    %jit3A_277 = arith.constant 8 : i32
    %div3A_278 = arith.divsi %convert_element_type3A_275, %jit3A_277 : i32
    %sign3A_279 = arith.constant 0 : i32
    %sign3A_280 = arith.cmpi sgt, %convert_element_type3A_275, %sign3A_279 : i32
    %sign3A_281 = arith.extui %sign3A_280 : i1 to i32
    %sign3A_282 = arith.constant 0 : i32
    %sign3A_283 = arith.cmpi slt, %convert_element_type3A_275, %sign3A_282 : i32
    %sign3A_284 = arith.extui %sign3A_283 : i1 to i32
    %sign3A_285 = arith.subi %sign3A_281, %sign3A_284 : i32
    %sign3A_286 = arith.constant 0 : i32
    %sign3A_287 = arith.cmpi sgt, %jit3A_277, %sign3A_286 : i32
    %sign3A_288 = arith.extui %sign3A_287 : i1 to i32
    %sign3A_289 = arith.constant 0 : i32
    %sign3A_290 = arith.cmpi slt, %jit3A_277, %sign3A_289 : i32
    %sign3A_291 = arith.extui %sign3A_290 : i1 to i32
    %sign3A_292 = arith.subi %sign3A_288, %sign3A_291 : i32
    %ne3A_293 = arith.cmpi ne, %sign3A_285, %sign3A_292 : i32
    %rem3A_294 = arith.remsi %convert_element_type3A_275, %jit3A_277 : i32
    %ne3A_295 = arith.constant 0 : i32
    %ne3A_296 = arith.cmpi ne, %rem3A_294, %ne3A_295 : i32
    %and3A_297 = arith.andi %ne3A_293, %ne3A_296 : i1
    %sub3A_298 = arith.constant 1 : i32
    %sub3A_299 = arith.subi %div3A_278, %sub3A_298 : i32
    %select_n3A_300 = arith.select %and3A_297, %sub3A_299, %div3A_278 : i32
    %mul3A_301 = arith.constant 8 : i32
    %mul3A_302 = arith.muli %select_n3A_300, %mul3A_301 : i32
    %sub3A_303 = arith.subi %add3A_276, %mul3A_302 : i32
    %add3A_304 = arith.constant 2048 : i32
    %add3A_305 = arith.addi %sub3A_303, %add3A_304 : i32
    %sub3A_306 = arith.constant 1 : i32
    %sub3A_307 = arith.subi %add3A_305, %sub3A_306 : i32
    %jit3A_308 = arith.constant 2048 : i32
    %div3A_309 = arith.divsi %sub3A_307, %jit3A_308 : i32
    %sign3A_310 = arith.constant 0 : i32
    %sign3A_311 = arith.cmpi sgt, %sub3A_307, %sign3A_310 : i32
    %sign3A_312 = arith.extui %sign3A_311 : i1 to i32
    %sign3A_313 = arith.constant 0 : i32
    %sign3A_314 = arith.cmpi slt, %sub3A_307, %sign3A_313 : i32
    %sign3A_315 = arith.extui %sign3A_314 : i1 to i32
    %sign3A_316 = arith.subi %sign3A_312, %sign3A_315 : i32
    %sign3A_317 = arith.constant 0 : i32
    %sign3A_318 = arith.cmpi sgt, %jit3A_308, %sign3A_317 : i32
    %sign3A_319 = arith.extui %sign3A_318 : i1 to i32
    %sign3A_320 = arith.constant 0 : i32
    %sign3A_321 = arith.cmpi slt, %jit3A_308, %sign3A_320 : i32
    %sign3A_322 = arith.extui %sign3A_321 : i1 to i32
    %sign3A_323 = arith.subi %sign3A_319, %sign3A_322 : i32
    %ne3A_324 = arith.cmpi ne, %sign3A_316, %sign3A_323 : i32
    %rem3A_325 = arith.remsi %sub3A_307, %jit3A_308 : i32
    %ne3A_326 = arith.constant 0 : i32
    %ne3A_327 = arith.cmpi ne, %rem3A_325, %ne3A_326 : i32
    %and3A_328 = arith.andi %ne3A_324, %ne3A_327 : i1
    %sub3A_329 = arith.constant 1 : i32
    %sub3A_330 = arith.subi %div3A_309, %sub3A_329 : i32
    %select_n3A_331 = arith.select %and3A_328, %sub3A_330, %div3A_309 : i32
    %add3A_332 = arith.constant 15 : i32
    %add3A_333 = arith.addi %sub3A_303, %add3A_332 : i32
    %jit3A_334 = arith.constant 16 : i32
    %div3A_335 = arith.divsi %add3A_333, %jit3A_334 : i32
    %sign3A_336 = arith.constant 0 : i32
    %sign3A_337 = arith.cmpi sgt, %add3A_333, %sign3A_336 : i32
    %sign3A_338 = arith.extui %sign3A_337 : i1 to i32
    %sign3A_339 = arith.constant 0 : i32
    %sign3A_340 = arith.cmpi slt, %add3A_333, %sign3A_339 : i32
    %sign3A_341 = arith.extui %sign3A_340 : i1 to i32
    %sign3A_342 = arith.subi %sign3A_338, %sign3A_341 : i32
    %sign3A_343 = arith.constant 0 : i32
    %sign3A_344 = arith.cmpi sgt, %jit3A_334, %sign3A_343 : i32
    %sign3A_345 = arith.extui %sign3A_344 : i1 to i32
    %sign3A_346 = arith.constant 0 : i32
    %sign3A_347 = arith.cmpi slt, %jit3A_334, %sign3A_346 : i32
    %sign3A_348 = arith.extui %sign3A_347 : i1 to i32
    %sign3A_349 = arith.subi %sign3A_345, %sign3A_348 : i32
    %ne3A_350 = arith.cmpi ne, %sign3A_342, %sign3A_349 : i32
    %rem3A_351 = arith.remsi %add3A_333, %jit3A_334 : i32
    %ne3A_352 = arith.constant 0 : i32
    %ne3A_353 = arith.cmpi ne, %rem3A_351, %ne3A_352 : i32
    %and3A_354 = arith.andi %ne3A_350, %ne3A_353 : i1
    %sub3A_355 = arith.constant 1 : i32
    %sub3A_356 = arith.subi %div3A_335, %sub3A_355 : i32
    %select_n3A_357 = arith.select %and3A_354, %sub3A_356, %div3A_335 : i32
    %while3A_358 = arith.constant 0 : i32
    %while3A_359 = arith.constant 0 : i32
    %while3A_360 = arith.subi %select_n3A_331, %while3A_358 : i32
    %while3A_361 = arith.addi %while3A_358, %while3A_360 : i32
    %while3A_362 = arith.constant 1 : i32
    %while3A_363 = arith.divsi %while3A_360, %while3A_362 : i32
    %while3A_364 = arith.muli %while3A_363, %while3A_362 : i32
    %while3A_365 = arith.addi %while3A_358, %while3A_364 : i32
    %while3A_366 = arith.constant 1 : i32
    %while3A_367 = scf.for %while3A_427 = %while3A_358 to %while3A_365 step %while3A_366 iter_args(%while3A_428 = %while3A_359) -> (i32)  : i32 {
      %mul3A_429 = arith.constant 2048 : i32
      %mul3A_430 = arith.muli %while3A_427, %mul3A_429 : i32
      %add3A_431 = arith.addi %mul3A_302, %mul3A_430 : i32
      %mul3A_432 = arith.constant 2048 : i32
      %mul3A_433 = arith.muli %while3A_427, %mul3A_432 : i32
      "tpu.region"() ({
        %run_scoped3A = tpu.sem_alloc : memref<!tpu.dma_semaphore, #tpu.memory_space<semaphore_mem>>
        %dma_start3A_435 = tpu.memref_slice %arg10[%mul3A_433] : memref<57344xf32, #tpu.memory_space<vmem>> -> memref<2048xf32, #tpu.memory_space<vmem>>
        %dma_start3A_436 = tpu.memref_slice %arg2[%add3A_431] : memref<52224xf32, #tpu.memory_space<hbm>> -> memref<2048xf32, #tpu.memory_space<hbm>>
        %dma_start3A_437 = tpu.memref_slice %arg10[%mul3A_433] : memref<57344xf32, #tpu.memory_space<vmem>> -> memref<2048xf32, #tpu.memory_space<vmem>>
        %dma_start3A_438 = tpu.memref_slice %arg2[%add3A_431] : memref<52224xf32, #tpu.memory_space<hbm>> -> memref<2048xf32, #tpu.memory_space<hbm>>
        tpu.enqueue_dma source(%dma_start3A_438 : memref<2048xf32, #tpu.memory_space<hbm>>) target(%dma_start3A_437 : memref<2048xf32, #tpu.memory_space<vmem>>) target_semaphore(%run_scoped3A : memref<!tpu.dma_semaphore, #tpu.memory_space<semaphore_mem>>)
        %dma_wait3A_439 = tpu.memref_slice %arg10[%mul3A_433] : memref<57344xf32, #tpu.memory_space<vmem>> -> memref<2048xf32, #tpu.memory_space<vmem>>
        %dma_wait3A_440 = tpu.memref_slice %arg2[%add3A_431] : memref<52224xf32, #tpu.memory_space<hbm>> -> memref<2048xf32, #tpu.memory_space<hbm>>
        %dma_wait3A_441 = tpu.memref_slice %arg10[%mul3A_433] : memref<57344xf32, #tpu.memory_space<vmem>> -> memref<2048xf32, #tpu.memory_space<vmem>>
        %dma_wait3A_442 = tpu.memref_slice %arg2[%add3A_431] : memref<52224xf32, #tpu.memory_space<hbm>> -> memref<2048xf32, #tpu.memory_space<hbm>>
        tpu.wait_dma2 semaphore(%run_scoped3A : memref<!tpu.dma_semaphore, #tpu.memory_space<semaphore_mem>>) src(%dma_wait3A_442 : memref<2048xf32, #tpu.memory_space<hbm>>) dst(%dma_wait3A_441 : memref<2048xf32, #tpu.memory_space<vmem>>)
        tpu.yield
      }) : () -> ()
      %while3A_434 = arith.constant 0 : i32
      scf.yield %while3A_434 : i32
    }
    %while3A_368 = arith.constant 1 : i32
    %while3A_369 = scf.for %while3A_427 = %while3A_365 to %while3A_361 step %while3A_368 iter_args(%while3A_428 = %while3A_367) -> (i32)  : i32 {
      %mul3A_429 = arith.constant 2048 : i32
      %mul3A_430 = arith.muli %while3A_427, %mul3A_429 : i32
      %add3A_431 = arith.addi %mul3A_302, %mul3A_430 : i32
      %mul3A_432 = arith.constant 2048 : i32
      %mul3A_433 = arith.muli %while3A_427, %mul3A_432 : i32
      "tpu.region"() ({
        %run_scoped3A = tpu.sem_alloc : memref<!tpu.dma_semaphore, #tpu.memory_space<semaphore_mem>>
        %dma_start3A_435 = tpu.memref_slice %arg10[%mul3A_433] : memref<57344xf32, #tpu.memory_space<vmem>> -> memref<2048xf32, #tpu.memory_space<vmem>>
        %dma_start3A_436 = tpu.memref_slice %arg2[%add3A_431] : memref<52224xf32, #tpu.memory_space<hbm>> -> memref<2048xf32, #tpu.memory_space<hbm>>
        %dma_start3A_437 = tpu.memref_slice %arg10[%mul3A_433] : memref<57344xf32, #tpu.memory_space<vmem>> -> memref<2048xf32, #tpu.memory_space<vmem>>
        %dma_start3A_438 = tpu.memref_slice %arg2[%add3A_431] : memref<52224xf32, #tpu.memory_space<hbm>> -> memref<2048xf32, #tpu.memory_space<hbm>>
        tpu.enqueue_dma source(%dma_start3A_438 : memref<2048xf32, #tpu.memory_space<hbm>>) target(%dma_start3A_437 : memref<2048xf32, #tpu.memory_space<vmem>>) target_semaphore(%run_scoped3A : memref<!tpu.dma_semaphore, #tpu.memory_space<semaphore_mem>>)
        %dma_wait3A_439 = tpu.memref_slice %arg10[%mul3A_433] : memref<57344xf32, #tpu.memory_space<vmem>> -> memref<2048xf32, #tpu.memory_space<vmem>>
        %dma_wait3A_440 = tpu.memref_slice %arg2[%add3A_431] : memref<52224xf32, #tpu.memory_space<hbm>> -> memref<2048xf32, #tpu.memory_space<hbm>>
        %dma_wait3A_441 = tpu.memref_slice %arg10[%mul3A_433] : memref<57344xf32, #tpu.memory_space<vmem>> -> memref<2048xf32, #tpu.memory_space<vmem>>
        %dma_wait3A_442 = tpu.memref_slice %arg2[%add3A_431] : memref<52224xf32, #tpu.memory_space<hbm>> -> memref<2048xf32, #tpu.memory_space<hbm>>
        tpu.wait_dma2 semaphore(%run_scoped3A : memref<!tpu.dma_semaphore, #tpu.memory_space<semaphore_mem>>) src(%dma_wait3A_442 : memref<2048xf32, #tpu.memory_space<hbm>>) dst(%dma_wait3A_441 : memref<2048xf32, #tpu.memory_space<vmem>>)
        tpu.yield
      }) : () -> ()
      %while3A_434 = arith.constant 0 : i32
      scf.yield %while3A_434 : i32
    }
    %while3A_370 = arith.constant 0 : i32
    %while3A_371 = arith.constant 0 : i32
    %while3A_372 = arith.subi %select_n3A_357, %while3A_370 : i32
    %while3A_373 = arith.addi %while3A_370, %while3A_372 : i32
    %while3A_374 = arith.constant 1 : i32
    %while3A_375 = arith.divsi %while3A_372, %while3A_374 : i32
    %while3A_376 = arith.muli %while3A_375, %while3A_374 : i32
    %while3A_377 = arith.addi %while3A_370, %while3A_376 : i32
    %while3A_378 = arith.constant 1 : i32
    %while3A_379 = scf.for %while3A_427 = %while3A_370 to %while3A_377 step %while3A_378 iter_args(%while3A_428 = %while3A_371) -> (i32)  : i32 {
      %mul3A_429 = arith.constant 16 : i32
      %mul3A_430 = arith.muli %while3A_427, %mul3A_429 : i32
      %get3A_431 = arith.index_cast %mul3A_430 : i32 to index
      %get3A_432 = tpu.vector_load %arg10[%get3A_431] {strides = array<i32>} : memref<57344xf32, #tpu.memory_space<vmem>>, vector<16xf32>,
      %mul3A_433 = arith.constant 16 : i32
      %mul3A_434 = arith.muli %while3A_427, %mul3A_433 : i32
      %add3A_435 = arith.addi %mul3A_302, %mul3A_434 : i32
      %add3A_436 = vector.broadcast %add3A_435 : i32 to vector<16xi32>
      %add3A_437 = arith.addi %add3A_436, %iota3A : vector<16xi32>
      %ge3A = vector.broadcast %convert_element_type3A_275 : i32 to vector<16xi32>
      %ge3A_438 = arith.cmpi sge, %add3A_437, %ge3A : vector<16xi32>
      %lt3A_439 = vector.broadcast %add3A_276 : i32 to vector<16xi32>
      %lt3A_440 = arith.cmpi slt, %add3A_437, %lt3A_439 : vector<16xi32>
      %and3A_441 = arith.andi %ge3A_438, %lt3A_440 : vector<16xi1>
      %jit3A_442 = arith.constant 0xFF800000 : f32
      %broadcast_in_dim3A_443 = vector.broadcast %jit3A_442 : f32 to vector<16xf32>
      %select_n3A_444 = arith.select %and3A_441, %get3A_432, %broadcast_in_dim3A_443 : vector<16xi1>, vector<16xf32>
      %mul3A_445 = arith.constant 16 : i32
      %mul3A_446 = arith.muli %while3A_427, %mul3A_445 : i32
      %swap3A_447 = arith.index_cast %mul3A_446 : i32 to index
      %swap3A_448 = tpu.vector_load %arg10[%swap3A_447] {strides = array<i32>} : memref<57344xf32, #tpu.memory_space<vmem>>, vector<16xf32>,
      tpu.vector_store %arg10[%swap3A_447], %select_n3A_444 {strides = array<i32>} : memref<57344xf32, #tpu.memory_space<vmem>>, vector<16xf32>,
      %while3A_449 = arith.constant 0 : i32
      scf.yield %while3A_449 : i32
    }
    %while3A_380 = arith.constant 1 : i32
    %while3A_381 = scf.for %while3A_427 = %while3A_377 to %while3A_373 step %while3A_380 iter_args(%while3A_428 = %while3A_379) -> (i32)  : i32 {
      %mul3A_429 = arith.constant 16 : i32
      %mul3A_430 = arith.muli %while3A_427, %mul3A_429 : i32
      %get3A_431 = arith.index_cast %mul3A_430 : i32 to index
      %get3A_432 = tpu.vector_load %arg10[%get3A_431] {strides = array<i32>} : memref<57344xf32, #tpu.memory_space<vmem>>, vector<16xf32>,
      %mul3A_433 = arith.constant 16 : i32
      %mul3A_434 = arith.muli %while3A_427, %mul3A_433 : i32
      %add3A_435 = arith.addi %mul3A_302, %mul3A_434 : i32
      %add3A_436 = vector.broadcast %add3A_435 : i32 to vector<16xi32>
      %add3A_437 = arith.addi %add3A_436, %iota3A : vector<16xi32>
      %ge3A = vector.broadcast %convert_element_type3A_275 : i32 to vector<16xi32>
      %ge3A_438 = arith.cmpi sge, %add3A_437, %ge3A : vector<16xi32>
      %lt3A_439 = vector.broadcast %add3A_276 : i32 to vector<16xi32>
      %lt3A_440 = arith.cmpi slt, %add3A_437, %lt3A_439 : vector<16xi32>
      %and3A_441 = arith.andi %ge3A_438, %lt3A_440 : vector<16xi1>
      %jit3A_442 = arith.constant 0xFF800000 : f32
      %broadcast_in_dim3A_443 = vector.broadcast %jit3A_442 : f32 to vector<16xf32>
      %select_n3A_444 = arith.select %and3A_441, %get3A_432, %broadcast_in_dim3A_443 : vector<16xi1>, vector<16xf32>
      %mul3A_445 = arith.constant 16 : i32
      %mul3A_446 = arith.muli %while3A_427, %mul3A_445 : i32
      %swap3A_447 = arith.index_cast %mul3A_446 : i32 to index
      %swap3A_448 = tpu.vector_load %arg10[%swap3A_447] {strides = array<i32>} : memref<57344xf32, #tpu.memory_space<vmem>>, vector<16xf32>,
      tpu.vector_store %arg10[%swap3A_447], %select_n3A_444 {strides = array<i32>} : memref<57344xf32, #tpu.memory_space<vmem>>, vector<16xf32>,
      %while3A_449 = arith.constant 0 : i32
      scf.yield %while3A_449 : i32
    }
    %broadcast_in_dim3A_382 = arith.constant 0 : i32
    %broadcast_in_dim3A_383 = vector.broadcast %broadcast_in_dim3A_382 : i32 to vector<16xi32>
    %scan3A_384 = arith.constant 0 : i32
    %scan3A_385 = arith.constant 32 : i32
    %scan3A_386 = arith.addi %scan3A_384, %scan3A_385 : i32
    %scan3A_387 = arith.constant 1 : i32
    %scan3A_388:2 = scf.for %scan3A_427 = %scan3A_384 to %scan3A_386 step %scan3A_387 iter_args(%scan3A_428 = %broadcast_in_dim3A_383, %scan3A_429 = %broadcast_in_dim3A_383) -> (vector<16xi32>, vector<16xi32>)  : i32 {
      %broadcast_in_dim3A_430 = arith.constant 0xFF800000 : f32
      %broadcast_in_dim3A_431 = vector.broadcast %broadcast_in_dim3A_430 : f32 to vector<16xf32>
      %while3A_432 = arith.constant 0 : i32
      %while3A_433 = arith.subi %select_n3A_357, %while3A_432 : i32
      %while3A_434 = arith.addi %while3A_432, %while3A_433 : i32
      %while3A_435 = arith.constant 1 : i32
      %while3A_436 = arith.divsi %while3A_433, %while3A_435 : i32
      %while3A_437 = arith.muli %while3A_436, %while3A_435 : i32
      %while3A_438 = arith.addi %while3A_432, %while3A_437 : i32
      %while3A_439 = arith.constant 1 : i32
      %while3A_440 = scf.for %while3A_534 = %while3A_432 to %while3A_438 step %while3A_439 iter_args(%while3A_535 = %broadcast_in_dim3A_431) -> (vector<16xf32>)  : i32 {
        %mul3A_536 = arith.constant 16 : i32
        %mul3A_537 = arith.muli %while3A_534, %mul3A_536 : i32
        %get3A_538 = arith.index_cast %mul3A_537 : i32 to index
        %get3A_539 = tpu.vector_load %arg10[%get3A_538] {strides = array<i32>} : memref<57344xf32, #tpu.memory_space<vmem>>, vector<16xf32>,
        %max3A_540 = arith.maximumf %while3A_535, %get3A_539 : vector<16xf32>
        scf.yield %max3A_540 : vector<16xf32>
      }
      %while3A_441 = arith.constant 1 : i32
      %while3A_442 = scf.for %while3A_534 = %while3A_438 to %while3A_434 step %while3A_441 iter_args(%while3A_535 = %while3A_440) -> (vector<16xf32>)  : i32 {
        %mul3A_536 = arith.constant 16 : i32
        %mul3A_537 = arith.muli %while3A_534, %mul3A_536 : i32
        %get3A_538 = arith.index_cast %mul3A_537 : i32 to index
        %get3A_539 = tpu.vector_load %arg10[%get3A_538] {strides = array<i32>} : memref<57344xf32, #tpu.memory_space<vmem>>, vector<16xf32>,
        %max3A_540 = arith.maximumf %while3A_535, %get3A_539 : vector<16xf32>
        scf.yield %max3A_540 : vector<16xf32>
      }
      %reduce_max3A = arith.constant true
      %reduce_max3A_443 = vector.broadcast %reduce_max3A : i1 to vector<16xi1>
      %reduce_max3A_444 = tpu.scan <max>, %while3A_442 masked %reduce_max3A_443 : vector<16xf32>, vector<16xi1> -> vector<16xf32>
      %reduce_max3A_445 = vector.extract %reduce_max3A_444[15] : f32 from vector<16xf32>
      %broadcast_in_dim3A_446 = arith.constant 1073741824 : i32
      %broadcast_in_dim3A_447 = vector.broadcast %broadcast_in_dim3A_446 : i32 to vector<16xi32>
      %while3A_448 = arith.constant 0 : i32
      %while3A_449 = arith.subi %select_n3A_357, %while3A_448 : i32
      %while3A_450 = arith.addi %while3A_448, %while3A_449 : i32
      %while3A_451 = arith.constant 1 : i32
      %while3A_452 = arith.divsi %while3A_449, %while3A_451 : i32
      %while3A_453 = arith.muli %while3A_452, %while3A_451 : i32
      %while3A_454 = arith.addi %while3A_448, %while3A_453 : i32
      %while3A_455 = arith.constant 1 : i32
      %while3A_456 = scf.for %while3A_534 = %while3A_448 to %while3A_454 step %while3A_455 iter_args(%while3A_535 = %broadcast_in_dim3A_447) -> (vector<16xi32>)  : i32 {
        %mul3A_536 = arith.constant 16 : i32
        %mul3A_537 = arith.muli %while3A_534, %mul3A_536 : i32
        %get3A_538 = arith.index_cast %mul3A_537 : i32 to index
        %get3A_539 = tpu.vector_load %arg10[%get3A_538] {strides = array<i32>} : memref<57344xf32, #tpu.memory_space<vmem>>, vector<16xf32>,
        %eq3A_540 = vector.broadcast %reduce_max3A_445 : f32 to vector<16xf32>
        %eq3A_541 = arith.cmpf oeq, %get3A_539, %eq3A_540 : vector<16xf32>
        %mul3A_542 = arith.constant 16 : i32
        %mul3A_543 = arith.muli %while3A_534, %mul3A_542 : i32
        %add3A_544 = vector.broadcast %mul3A_543 : i32 to vector<16xi32>
        %add3A_545 = arith.addi %add3A_544, %iota3A : vector<16xi32>
        %jit3A_546 = arith.constant 1073741824 : i32
        %broadcast_in_dim3A_547 = vector.broadcast %jit3A_546 : i32 to vector<16xi32>
        %select_n3A_548 = arith.select %eq3A_541, %add3A_545, %broadcast_in_dim3A_547 : vector<16xi1>, vector<16xi32>
        %min3A_549 = arith.minsi %while3A_535, %select_n3A_548 : vector<16xi32>
        scf.yield %min3A_549 : vector<16xi32>
      }
      %while3A_457 = arith.constant 1 : i32
      %while3A_458 = scf.for %while3A_534 = %while3A_454 to %while3A_450 step %while3A_457 iter_args(%while3A_535 = %while3A_456) -> (vector<16xi32>)  : i32 {
        %mul3A_536 = arith.constant 16 : i32
        %mul3A_537 = arith.muli %while3A_534, %mul3A_536 : i32
        %get3A_538 = arith.index_cast %mul3A_537 : i32 to index
        %get3A_539 = tpu.vector_load %arg10[%get3A_538] {strides = array<i32>} : memref<57344xf32, #tpu.memory_space<vmem>>, vector<16xf32>,
        %eq3A_540 = vector.broadcast %reduce_max3A_445 : f32 to vector<16xf32>
        %eq3A_541 = arith.cmpf oeq, %get3A_539, %eq3A_540 : vector<16xf32>
        %mul3A_542 = arith.constant 16 : i32
        %mul3A_543 = arith.muli %while3A_534, %mul3A_542 : i32
        %add3A_544 = vector.broadcast %mul3A_543 : i32 to vector<16xi32>
        %add3A_545 = arith.addi %add3A_544, %iota3A : vector<16xi32>
        %jit3A_546 = arith.constant 1073741824 : i32
        %broadcast_in_dim3A_547 = vector.broadcast %jit3A_546 : i32 to vector<16xi32>
        %select_n3A_548 = arith.select %eq3A_541, %add3A_545, %broadcast_in_dim3A_547 : vector<16xi1>, vector<16xi32>
        %min3A_549 = arith.minsi %while3A_535, %select_n3A_548 : vector<16xi32>
        scf.yield %min3A_549 : vector<16xi32>
      }
      %reduce_min3A = arith.constant true
      %reduce_min3A_459 = vector.broadcast %reduce_min3A : i1 to vector<16xi1>
      %reduce_min3A_460 = arith.constant -2147483648 : i32
      %reduce_min3A_461 = vector.broadcast %reduce_min3A_460 : i32 to vector<16xi32>
      %reduce_min3A_462 = arith.xori %while3A_458, %reduce_min3A_461 : vector<16xi32>
      %reduce_min3A_463 = tpu.scan <min>, %reduce_min3A_462 masked %reduce_min3A_459 : vector<16xi32>, vector<16xi1> -> vector<16xi32>
      %reduce_min3A_464 = arith.xori %reduce_min3A_463, %reduce_min3A_461 : vector<16xi32>
      %reduce_min3A_465 = vector.extract %reduce_min3A_464[15] : i32 from vector<16xi32>
      %sub3A_466 = arith.constant 1 : i32
      %sub3A_467 = arith.subi %sub3A_303, %sub3A_466 : i32
      %max3A = arith.constant 0 : i32
      %max3A_468 = arith.maxsi %sub3A_467, %max3A : i32
      %min3A = arith.minsi %reduce_min3A_465, %max3A_468 : i32
      %add3A_469 = arith.addi %mul3A_302, %min3A : i32
      %min3A_470 = arith.constant 49999 : i32
      %min3A_471 = arith.minsi %add3A_469, %min3A_470 : i32
      %eq3A = vector.broadcast %scan3A_427 : i32 to vector<16xi32>
      %eq3A_472 = arith.cmpi eq, %iota3A, %eq3A : vector<16xi32>
      %broadcast_in_dim3A_473 = vector.broadcast %min3A_471 : i32 to vector<16xi32>
      %select_n3A_474 = arith.select %eq3A_472, %broadcast_in_dim3A_473, %scan3A_428 : vector<16xi1>, vector<16xi32>
      %sub3A_475 = arith.constant 16 : i32
      %sub3A_476 = arith.subi %scan3A_427, %sub3A_475 : i32
      %eq3A_477 = vector.broadcast %sub3A_476 : i32 to vector<16xi32>
      %eq3A_478 = arith.cmpi eq, %iota3A, %eq3A_477 : vector<16xi32>
      %broadcast_in_dim3A_479 = vector.broadcast %min3A_471 : i32 to vector<16xi32>
      %select_n3A_480 = arith.select %eq3A_478, %broadcast_in_dim3A_479, %scan3A_429 : vector<16xi1>, vector<16xi32>
      %jit3A_481 = arith.constant 16 : i32
      %div3A_482 = arith.divsi %min3A, %jit3A_481 : i32
      %sign3A_483 = arith.constant 0 : i32
      %sign3A_484 = arith.cmpi sgt, %min3A, %sign3A_483 : i32
      %sign3A_485 = arith.extui %sign3A_484 : i1 to i32
      %sign3A_486 = arith.constant 0 : i32
      %sign3A_487 = arith.cmpi slt, %min3A, %sign3A_486 : i32
      %sign3A_488 = arith.extui %sign3A_487 : i1 to i32
      %sign3A_489 = arith.subi %sign3A_485, %sign3A_488 : i32
      %sign3A_490 = arith.constant 0 : i32
      %sign3A_491 = arith.cmpi sgt, %jit3A_481, %sign3A_490 : i32
      %sign3A_492 = arith.extui %sign3A_491 : i1 to i32
      %sign3A_493 = arith.constant 0 : i32
      %sign3A_494 = arith.cmpi slt, %jit3A_481, %sign3A_493 : i32
      %sign3A_495 = arith.extui %sign3A_494 : i1 to i32
      %sign3A_496 = arith.subi %sign3A_492, %sign3A_495 : i32
      %ne3A_497 = arith.cmpi ne, %sign3A_489, %sign3A_496 : i32
      %rem3A_498 = arith.remsi %min3A, %jit3A_481 : i32
      %ne3A_499 = arith.constant 0 : i32
      %ne3A_500 = arith.cmpi ne, %rem3A_498, %ne3A_499 : i32
      %and3A_501 = arith.andi %ne3A_497, %ne3A_500 : i1
      %sub3A_502 = arith.constant 1 : i32
      %sub3A_503 = arith.subi %div3A_482, %sub3A_502 : i32
      %select_n3A_504 = arith.select %and3A_501, %sub3A_503, %div3A_482 : i32
      %mul3A_505 = arith.constant 16 : i32
      %mul3A_506 = arith.muli %select_n3A_504, %mul3A_505 : i32
      %get3A_507 = arith.index_cast %mul3A_506 : i32 to index
      %get3A_508 = tpu.vector_load %arg10[%get3A_507] {strides = array<i32>} : memref<57344xf32, #tpu.memory_space<vmem>>, vector<16xf32>,
      %jit3A_509 = arith.constant 16 : i32
      %eq3A_510 = arith.constant 0 : i32
      %eq3A_511 = arith.cmpi eq, %jit3A_509, %eq3A_510 : i32
      %jit3A_512 = arith.constant 1 : i32
      %select_n3A_513 = arith.select %eq3A_511, %jit3A_512, %jit3A_509 : i32
      %rem3A_514 = arith.remsi %min3A, %select_n3A_513 : i32
      %ne3A_515 = arith.constant 0 : i32
      %ne3A_516 = arith.cmpi ne, %rem3A_514, %ne3A_515 : i32
      %lt3A_517 = arith.constant 0 : i32
      %lt3A_518 = arith.cmpi slt, %rem3A_514, %lt3A_517 : i32
      %lt3A_519 = arith.constant 0 : i32
      %lt3A_520 = arith.cmpi slt, %select_n3A_513, %lt3A_519 : i32
      %ne3A_521 = arith.xori %lt3A_518, %lt3A_520 : i1
      %and3A_522 = arith.andi %ne3A_521, %ne3A_516 : i1
      %add3A_523 = arith.addi %rem3A_514, %select_n3A_513 : i32
      %select_n3A_524 = arith.select %and3A_522, %add3A_523, %rem3A_514 : i32
      %eq3A_525 = vector.broadcast %select_n3A_524 : i32 to vector<16xi32>
      %eq3A_526 = arith.cmpi eq, %iota3A, %eq3A_525 : vector<16xi32>
      %jit3A_527 = arith.constant 0xFF800000 : f32
      %broadcast_in_dim3A_528 = vector.broadcast %jit3A_527 : f32 to vector<16xf32>
      %select_n3A_529 = arith.select %eq3A_526, %broadcast_in_dim3A_528, %get3A_508 : vector<16xi1>, vector<16xf32>
      %mul3A_530 = arith.constant 16 : i32
      %mul3A_531 = arith.muli %select_n3A_504, %mul3A_530 : i32
      %swap3A_532 = arith.index_cast %mul3A_531 : i32 to index
      %swap3A_533 = tpu.vector_load %arg10[%swap3A_532] {strides = array<i32>} : memref<57344xf32, #tpu.memory_space<vmem>>, vector<16xf32>,
      tpu.vector_store %arg10[%swap3A_532], %select_n3A_529 {strides = array<i32>} : memref<57344xf32, #tpu.memory_space<vmem>>, vector<16xf32>,
      scf.yield %select_n3A_474, %select_n3A_480 : vector<16xi32>, vector<16xi32>
    }
    %scan3A_389 = arith.constant 32 : i32
    %swap3A_390 = arith.constant 0 : index
    %swap3A_391 = tpu.vector_load %arg11[%swap3A_390] {strides = array<i32>} : memref<32xi32, #tpu.memory_space<vmem>>, vector<16xi32>,
    tpu.vector_store %arg11[%swap3A_390], %scan3A_388#0 {strides = array<i32>} : memref<32xi32, #tpu.memory_space<vmem>>, vector<16xi32>,
    %swap3A_392 = arith.constant 16 : index
    %swap3A_393 = tpu.vector_load %arg11[%swap3A_392] {strides = array<i32>} : memref<32xi32, #tpu.memory_space<vmem>>, vector<16xi32>,
    tpu.vector_store %arg11[%swap3A_392], %scan3A_388#1 {strides = array<i32>} : memref<32xi32, #tpu.memory_space<vmem>>, vector<16xi32>,
    %lt3A_394 = vector.broadcast %squeeze3A_209 : i32 to vector<16xi32>
    %lt3A_395 = arith.cmpi slt, %iota3A, %lt3A_394 : vector<16xi32>
    %convert_element_type3A_396 = arith.extui %lt3A_395 : vector<16xi1> to vector<16xi32>
    %convert_element_type3A_397 = arith.sitofp %convert_element_type3A_396 : vector<16xi32> to vector<16xf32>
    %swap3A_398 = arith.constant 0 : index
    %swap3A_399 = tpu.vector_load %arg14[%swap3A_398] {strides = array<i32>} : memref<32xf32, #tpu.memory_space<vmem>>, vector<16xf32>,
    tpu.vector_store %arg14[%swap3A_398], %convert_element_type3A_397 {strides = array<i32>} : memref<32xf32, #tpu.memory_space<vmem>>, vector<16xf32>,
    %add3A_400 = arith.constant 16 : i32
    %add3A_401 = vector.broadcast %add3A_400 : i32 to vector<16xi32>
    %add3A_402 = arith.addi %iota3A, %add3A_401 : vector<16xi32>
    %lt3A_403 = vector.broadcast %squeeze3A_209 : i32 to vector<16xi32>
    %lt3A_404 = arith.cmpi slt, %add3A_402, %lt3A_403 : vector<16xi32>
    %convert_element_type3A_405 = arith.extui %lt3A_404 : vector<16xi1> to vector<16xi32>
    %convert_element_type3A_406 = arith.sitofp %convert_element_type3A_405 : vector<16xi32> to vector<16xf32>
    %swap3A_407 = arith.constant 16 : index
    %swap3A_408 = tpu.vector_load %arg14[%swap3A_407] {strides = array<i32>} : memref<32xf32, #tpu.memory_space<vmem>>, vector<16xf32>,
    tpu.vector_store %arg14[%swap3A_407], %convert_element_type3A_406 {strides = array<i32>} : memref<32xf32, #tpu.memory_space<vmem>>, vector<16xf32>,
    %dma_start3A_409 = arith.constant 0 : i32
    %dma_start3A_410 = arith.constant 0 : i32
    %dma_start3A_411 = tpu.memref_slice %arg4[%dma_start3A_409, %dma_start3A_410] : memref<50000x128xf32, #tpu.memory_space<hbm>> -> memref<50000x128xf32, #tpu.memory_space<hbm>>
    tpu.enqueue_indirect_dma source(%dma_start3A_411 : memref<50000x128xf32, #tpu.memory_space<hbm>>) target(%arg12 : memref<32x128xf32, #tpu.memory_space<vmem>>) offsets(%arg11 : memref<32xi32, #tpu.memory_space<vmem>>) semaphore(%arg15 : memref<!tpu.dma_semaphore, #tpu.memory_space<semaphore_mem>>)
    %dma_start3A_412 = arith.constant 0 : i32
    %dma_start3A_413 = arith.constant 0 : i32
    %dma_start3A_414 = tpu.memref_slice %arg5[%dma_start3A_412, %dma_start3A_413] : memref<50000x128xf32, #tpu.memory_space<hbm>> -> memref<50000x128xf32, #tpu.memory_space<hbm>>
    tpu.enqueue_indirect_dma source(%dma_start3A_414 : memref<50000x128xf32, #tpu.memory_space<hbm>>) target(%arg13 : memref<32x128xf32, #tpu.memory_space<vmem>>) offsets(%arg11 : memref<32xi32, #tpu.memory_space<vmem>>) semaphore(%arg15 : memref<!tpu.dma_semaphore, #tpu.memory_space<semaphore_mem>>)
    %dma_wait3A_415 = arith.constant 0 : i32
    %dma_wait3A_416 = arith.constant 0 : i32
    %dma_wait3A_417 = tpu.memref_slice %arg4[%dma_wait3A_415, %dma_wait3A_416] : memref<50000x128xf32, #tpu.memory_space<hbm>> -> memref<50000x128xf32, #tpu.memory_space<hbm>>
    tpu.wait_indirect_dma semaphore(%arg15 : memref<!tpu.dma_semaphore, #tpu.memory_space<semaphore_mem>>) src(%dma_wait3A_417 : memref<50000x128xf32, #tpu.memory_space<hbm>>) dst(%arg12 : memref<32x128xf32, #tpu.memory_space<vmem>>)
    %dma_wait3A_418 = arith.constant 0 : i32
    %dma_wait3A_419 = arith.constant 0 : i32
    %dma_wait3A_420 = tpu.memref_slice %arg5[%dma_wait3A_418, %dma_wait3A_419] : memref<50000x128xf32, #tpu.memory_space<hbm>> -> memref<50000x128xf32, #tpu.memory_space<hbm>>
    tpu.wait_indirect_dma semaphore(%arg15 : memref<!tpu.dma_semaphore, #tpu.memory_space<semaphore_mem>>) src(%dma_wait3A_420 : memref<50000x128xf32, #tpu.memory_space<hbm>>) dst(%arg13 : memref<32x128xf32, #tpu.memory_space<vmem>>)
    %mul3A_421 = arith.constant 32 : i32
    %mul3A_422 = arith.muli %add3A_205, %mul3A_421 : i32
    "tpu.region"() ({
      %run_scoped3A = tpu.sem_alloc : memref<!tpu.dma_semaphore, #tpu.memory_space<semaphore_mem>>
      %dma_start3A_427 = arith.constant 0 : i32
      %dma_start3A_428 = tpu.memref_slice %arg6[%mul3A_422, %dma_start3A_427] : memref<2048x128xf32, #tpu.memory_space<hbm>> -> memref<32x128xf32, #tpu.memory_space<hbm>>
      %dma_start3A_429 = arith.constant 0 : i32
      %dma_start3A_430 = tpu.memref_slice %arg6[%mul3A_422, %dma_start3A_429] : memref<2048x128xf32, #tpu.memory_space<hbm>> -> memref<32x128xf32, #tpu.memory_space<hbm>>
      tpu.enqueue_dma source(%arg12 : memref<32x128xf32, #tpu.memory_space<vmem>>) target(%dma_start3A_430 : memref<32x128xf32, #tpu.memory_space<hbm>>) target_semaphore(%run_scoped3A : memref<!tpu.dma_semaphore, #tpu.memory_space<semaphore_mem>>)
      %dma_wait3A_431 = arith.constant 0 : i32
      %dma_wait3A_432 = tpu.memref_slice %arg6[%mul3A_422, %dma_wait3A_431] : memref<2048x128xf32, #tpu.memory_space<hbm>> -> memref<32x128xf32, #tpu.memory_space<hbm>>
      %dma_wait3A_433 = arith.constant 0 : i32
      %dma_wait3A_434 = tpu.memref_slice %arg6[%mul3A_422, %dma_wait3A_433] : memref<2048x128xf32, #tpu.memory_space<hbm>> -> memref<32x128xf32, #tpu.memory_space<hbm>>
      tpu.wait_dma2 semaphore(%run_scoped3A : memref<!tpu.dma_semaphore, #tpu.memory_space<semaphore_mem>>) src(%arg12 : memref<32x128xf32, #tpu.memory_space<vmem>>) dst(%dma_wait3A_434 : memref<32x128xf32, #tpu.memory_space<hbm>>)
      tpu.yield
    }) : () -> ()
    %mul3A_423 = arith.constant 32 : i32
    %mul3A_424 = arith.muli %add3A_205, %mul3A_423 : i32
    "tpu.region"() ({
      %run_scoped3A = tpu.sem_alloc : memref<!tpu.dma_semaphore, #tpu.memory_space<semaphore_mem>>
      %dma_start3A_427 = arith.constant 0 : i32
      %dma_start3A_428 = tpu.memref_slice %arg7[%mul3A_424, %dma_start3A_427] : memref<2048x128xf32, #tpu.memory_space<hbm>> -> memref<32x128xf32, #tpu.memory_space<hbm>>
      %dma_start3A_429 = arith.constant 0 : i32
      %dma_start3A_430 = tpu.memref_slice %arg7[%mul3A_424, %dma_start3A_429] : memref<2048x128xf32, #tpu.memory_space<hbm>> -> memref<32x128xf32, #tpu.memory_space<hbm>>
      tpu.enqueue_dma source(%arg13 : memref<32x128xf32, #tpu.memory_space<vmem>>) target(%dma_start3A_430 : memref<32x128xf32, #tpu.memory_space<hbm>>) target_semaphore(%run_scoped3A : memref<!tpu.dma_semaphore, #tpu.memory_space<semaphore_mem>>)
      %dma_wait3A_431 = arith.constant 0 : i32
      %dma_wait3A_432 = tpu.memref_slice %arg7[%mul3A_424, %dma_wait3A_431] : memref<2048x128xf32, #tpu.memory_space<hbm>> -> memref<32x128xf32, #tpu.memory_space<hbm>>
      %dma_wait3A_433 = arith.constant 0 : i32
      %dma_wait3A_434 = tpu.memref_slice %arg7[%mul3A_424, %dma_wait3A_433] : memref<2048x128xf32, #tpu.memory_space<hbm>> -> memref<32x128xf32, #tpu.memory_space<hbm>>
      tpu.wait_dma2 semaphore(%run_scoped3A : memref<!tpu.dma_semaphore, #tpu.memory_space<semaphore_mem>>) src(%arg13 : memref<32x128xf32, #tpu.memory_space<vmem>>) dst(%dma_wait3A_434 : memref<32x128xf32, #tpu.memory_space<hbm>>)
      tpu.yield
    }) : () -> ()
    %mul3A_425 = arith.constant 32 : i32
    %mul3A_426 = arith.muli %add3A_205, %mul3A_425 : i32
    "tpu.region"() ({
      %run_scoped3A = tpu.sem_alloc : memref<!tpu.dma_semaphore, #tpu.memory_space<semaphore_mem>>
      %dma_start3A_427 = tpu.memref_slice %arg8[%mul3A_426] : memref<2048xf32, #tpu.memory_space<hbm>> -> memref<32xf32, #tpu.memory_space<hbm>>
      %dma_start3A_428 = tpu.memref_slice %arg8[%mul3A_426] : memref<2048xf32, #tpu.memory_space<hbm>> -> memref<32xf32, #tpu.memory_space<hbm>>
      tpu.enqueue_dma source(%arg14 : memref<32xf32, #tpu.memory_space<vmem>>) target(%dma_start3A_428 : memref<32xf32, #tpu.memory_space<hbm>>) target_semaphore(%run_scoped3A : memref<!tpu.dma_semaphore, #tpu.memory_space<semaphore_mem>>)
      %dma_wait3A_429 = tpu.memref_slice %arg8[%mul3A_426] : memref<2048xf32, #tpu.memory_space<hbm>> -> memref<32xf32, #tpu.memory_space<hbm>>
      %dma_wait3A_430 = tpu.memref_slice %arg8[%mul3A_426] : memref<2048xf32, #tpu.memory_space<hbm>> -> memref<32xf32, #tpu.memory_space<hbm>>
      tpu.wait_dma2 semaphore(%run_scoped3A : memref<!tpu.dma_semaphore, #tpu.memory_space<semaphore_mem>>) src(%arg14 : memref<32xf32, #tpu.memory_space<vmem>>) dst(%dma_wait3A_430 : memref<32xf32, #tpu.memory_space<hbm>>)
      tpu.yield
    }) : () -> ()
    return
  }
}

module attributes {stable_mosaic.version = 14 : i64} {
  func.func @_score_count_body(%arg0: i32, %arg1: memref<1024x128xf32, #tpu.memory_space<vmem>>, %arg2: memref<1024x3xf32, #tpu.memory_space<vmem>>, %arg3: memref<128x1xf32, #tpu.memory_space<vmem>>, %arg4: memref<3x1xf32, #tpu.memory_space<vmem>>, %arg5: memref<1024x1xi32, #tpu.memory_space<vmem>>, %arg6: memref<1024x1xf32, #tpu.memory_space<vmem>>, %arg7: memref<8x64xi32, #tpu.memory_space<vmem>>) attributes {dimension_semantics = [#tpu.dimension_semantics<arbitrary>], iteration_bounds = array<i64: 51>, scalar_prefetch = 0 : i64, scratch_operands = 0 : i64, tpu.core_type = #tpu.core_type<tc>, window_params = [{transform_indices = @transform_0, window_bounds = array<i64: 1024, 128>}, {transform_indices = @transform_1, window_bounds = array<i64: 1024, 3>}, {pipeline_mode = #tpu.pipeline_mode<synchronous>, transform_indices = @transform_2, window_bounds = array<i64: 128, 1>}, {pipeline_mode = #tpu.pipeline_mode<synchronous>, transform_indices = @transform_3, window_bounds = array<i64: 3, 1>}, {transform_indices = @transform_4, window_bounds = array<i64: 1024, 1>}, {transform_indices = @transform_5, window_bounds = array<i64: 1024, 1>}, {pipeline_mode = #tpu.pipeline_mode<synchronous>, transform_indices = @transform_6, window_bounds = array<i64: 8, 64>}]} {
    %get3A = arith.constant 0 : index
    %get3A_0 = arith.constant 0 : index
    %get3A_1 = vector.load %arg1[%get3A, %get3A_0] : memref<1024x128xf32, #tpu.memory_space<vmem>>, vector<1024x128xf32>
    %get3A_2 = arith.constant 0 : index
    %get3A_3 = arith.constant 0 : index
    %get3A_4 = vector.load %arg3[%get3A_2, %get3A_3] : memref<128x1xf32, #tpu.memory_space<vmem>>, vector<128x1xf32>
    %dot_general3A = arith.constant dense<0.000000e+00> : vector<1024x1xf32>
    %dot_general3A_5 = tpu.matmul %get3A_1, %get3A_4, %dot_general3A {dimension_numbers = #tpu.dot_dimension_numbers<[1], [0], [0], [1], [0, 0, 1, 1], [], []>, transpose_lhs_hint = false} : vector<1024x128xf32>, vector<128x1xf32>, vector<1024x1xf32> -> vector<1024x1xf32>
    %get3A_6 = arith.constant 0 : index
    %get3A_7 = arith.constant 0 : index
    %get3A_8 = vector.load %arg2[%get3A_6, %get3A_7] : memref<1024x3xf32, #tpu.memory_space<vmem>>, vector<1024x3xf32>
    %get3A_9 = arith.constant 0 : index
    %get3A_10 = arith.constant 0 : index
    %get3A_11 = vector.load %arg4[%get3A_9, %get3A_10] : memref<3x1xf32, #tpu.memory_space<vmem>>, vector<3x1xf32>
    %dot_general3A_12 = arith.constant dense<0.000000e+00> : vector<1024x1xf32>
    %dot_general3A_13 = tpu.matmul %get3A_8, %get3A_11, %dot_general3A_12 {dimension_numbers = #tpu.dot_dimension_numbers<[1], [0], [0], [1], [0, 0, 1, 1], [], []>, transpose_lhs_hint = false} : vector<1024x3xf32>, vector<3x1xf32>, vector<1024x1xf32> -> vector<1024x1xf32>
    %add3A = arith.addf %dot_general3A_5, %dot_general3A_13 : vector<1024x1xf32>
    %swap3A = arith.constant 0 : index
    %swap3A_14 = arith.constant 0 : index
    %swap3A_15 = vector.load %arg6[%swap3A, %swap3A_14] : memref<1024x1xf32, #tpu.memory_space<vmem>>, vector<1024x1xf32>
    tpu.vector_store %arg6[%swap3A, %swap3A_14], %add3A {strides = array<i32>} : memref<1024x1xf32, #tpu.memory_space<vmem>>, vector<1024x1xf32>,
    %iota3A = tpu.iota {dimensions = array<i32: 1>} : vector<1x64xi32>
    %get3A_16 = arith.constant 0 : index
    %get3A_17 = arith.constant 0 : index
    %get3A_18 = vector.load %arg5[%get3A_16, %get3A_17] : memref<1024x1xi32, #tpu.memory_space<vmem>>, vector<1024x1xi32>
    %eq3A = vector.broadcast %get3A_18 : vector<1024x1xi32> to vector<1024x64xi32>
    %eq3A_19 = vector.broadcast %iota3A : vector<1x64xi32> to vector<1024x64xi32>
    %eq3A_20 = arith.cmpi eq, %eq3A, %eq3A_19 : vector<1024x64xi32>
    %convert_element_type3A = arith.extui %eq3A_20 : vector<1024x64xi1> to vector<1024x64xi32>
    %reduce_sum3A = arith.constant dense<0> : vector<64xi32>
    %reduce_sum3A_21 = vector.multi_reduction <add>, %convert_element_type3A, %reduce_sum3A [0] : vector<1024x64xi32> to vector<64xi32>
    %broadcast_in_dim3A = vector.shape_cast %reduce_sum3A_21 : vector<64xi32> to vector<1x64xi32>
    %iota3A_22 = tpu.iota {dimensions = array<i32: 0>} : vector<8x64xi32>
    %eq3A_23 = arith.constant 0 : i32
    %eq3A_24 = vector.broadcast %eq3A_23 : i32 to vector<8x64xi32>
    %eq3A_25 = arith.cmpi eq, %iota3A_22, %eq3A_24 : vector<8x64xi32>
    %convert_element_type3A_26 = arith.extui %eq3A_25 : vector<8x64xi1> to vector<8x64xi32>
    %mul3A = vector.broadcast %broadcast_in_dim3A : vector<1x64xi32> to vector<8x64xi32>
    %mul3A_27 = arith.muli %mul3A, %convert_element_type3A_26 : vector<8x64xi32>
    %eq3A_28 = arith.constant 0 : i32
    %eq3A_29 = arith.cmpi eq, %arg0, %eq3A_28 : i32
    %convert_element_type3A_30 = arith.extui %eq3A_29 : i1 to i32
    %cond3A = arith.constant 0 : i32
    %cond3A_31 = arith.cmpi ne, %convert_element_type3A_30, %cond3A : i32
    scf.if %cond3A_31 {
      %broadcast_in_dim3A_39 = arith.constant 0 : i32
      %broadcast_in_dim3A_40 = vector.broadcast %broadcast_in_dim3A_39 : i32 to vector<8x64xi32>
      %swap3A_41 = arith.constant 0 : index
      %swap3A_42 = arith.constant 0 : index
      %swap3A_43 = vector.load %arg7[%swap3A_41, %swap3A_42] : memref<8x64xi32, #tpu.memory_space<vmem>>, vector<8x64xi32>
      tpu.vector_store %arg7[%swap3A_41, %swap3A_42], %broadcast_in_dim3A_40 {strides = array<i32>} : memref<8x64xi32, #tpu.memory_space<vmem>>, vector<8x64xi32>,
    } else {
    }
    %get3A_32 = arith.constant 0 : index
    %get3A_33 = arith.constant 0 : index
    %get3A_34 = vector.load %arg7[%get3A_32, %get3A_33] : memref<8x64xi32, #tpu.memory_space<vmem>>, vector<8x64xi32>
    %add3A_35 = arith.addi %get3A_34, %mul3A_27 : vector<8x64xi32>
    %swap3A_36 = arith.constant 0 : index
    %swap3A_37 = arith.constant 0 : index
    %swap3A_38 = vector.load %arg7[%swap3A_36, %swap3A_37] : memref<8x64xi32, #tpu.memory_space<vmem>>, vector<8x64xi32>
    tpu.vector_store %arg7[%swap3A_36, %swap3A_37], %add3A_35 {strides = array<i32>} : memref<8x64xi32, #tpu.memory_space<vmem>>, vector<8x64xi32>,
    return
  }
  func.func @transform_0(%arg0: i32) -> (i32, i32) {
    %min3A = arith.constant 48 : i32
    %min3A_0 = arith.minsi %arg0, %min3A : i32
    %c0_i32 = arith.constant 0 : i32
    %c0_i32_1 = arith.constant 0 : i32
    return %min3A_0, %c0_i32 : i32, i32
  }
  func.func @transform_1(%arg0: i32) -> (i32, i32) {
    %min3A = arith.constant 48 : i32
    %min3A_0 = arith.minsi %arg0, %min3A : i32
    %c0_i32 = arith.constant 0 : i32
    %c0_i32_1 = arith.constant 0 : i32
    return %min3A_0, %c0_i32 : i32, i32
  }
  func.func @transform_2(%arg0: i32) -> (i32, i32) {
    %c0_i32 = arith.constant 0 : i32
    %c0_i32_0 = arith.constant 0 : i32
    %c0_i32_1 = arith.constant 0 : i32
    return %c0_i32, %c0_i32_0 : i32, i32
  }
  func.func @transform_3(%arg0: i32) -> (i32, i32) {
    %c0_i32 = arith.constant 0 : i32
    %c0_i32_0 = arith.constant 0 : i32
    %c0_i32_1 = arith.constant 0 : i32
    return %c0_i32, %c0_i32_0 : i32, i32
  }
  func.func @transform_4(%arg0: i32) -> (i32, i32) {
    %c0_i32 = arith.constant 0 : i32
    %c0_i32_0 = arith.constant 0 : i32
    return %arg0, %c0_i32 : i32, i32
  }
  func.func @transform_5(%arg0: i32) -> (i32, i32) {
    %c0_i32 = arith.constant 0 : i32
    %c0_i32_0 = arith.constant 0 : i32
    return %arg0, %c0_i32 : i32, i32
  }
  func.func @transform_6(%arg0: i32) -> (i32, i32) {
    %c0_i32 = arith.constant 0 : i32
    %c0_i32_0 = arith.constant 0 : i32
    %c0_i32_1 = arith.constant 0 : i32
    return %c0_i32, %c0_i32_0 : i32, i32
  }
}

module attributes {stable_mosaic.version = 14 : i64} {
  func.func @_project_body(%arg0: memref<2048x128xf32, #tpu.memory_space<vmem>>, %arg1: memref<2048x128xf32, #tpu.memory_space<vmem>>, %arg2: memref<128x128xf32, #tpu.memory_space<vmem>>, %arg3: memref<128x128xf32, #tpu.memory_space<vmem>>, %arg4: memref<1x128xf32, #tpu.memory_space<vmem>>, %arg5: memref<2048x1xf32, #tpu.memory_space<vmem>>, %arg6: memref<2048x128xf32, #tpu.memory_space<vmem>>) attributes {dimension_semantics = [], scalar_prefetch = 0 : i64, scratch_operands = 0 : i64, tpu.core_type = #tpu.core_type<tc>} {
    %get3A = arith.constant 0 : index
    %get3A_0 = arith.constant 0 : index
    %get3A_1 = vector.load %arg0[%get3A, %get3A_0] : memref<2048x128xf32, #tpu.memory_space<vmem>>, vector<2048x128xf32>
    %get3A_2 = arith.constant 0 : index
    %get3A_3 = arith.constant 0 : index
    %get3A_4 = vector.load %arg2[%get3A_2, %get3A_3] : memref<128x128xf32, #tpu.memory_space<vmem>>, vector<128x128xf32>
    %dot_general3A = arith.constant dense<0.000000e+00> : vector<2048x128xf32>
    %dot_general3A_5 = tpu.matmul %get3A_1, %get3A_4, %dot_general3A {dimension_numbers = #tpu.dot_dimension_numbers<[1], [0], [0], [1], [0, 0, 1, 1], [], []>, transpose_lhs_hint = false} : vector<2048x128xf32>, vector<128x128xf32>, vector<2048x128xf32> -> vector<2048x128xf32>
    %get3A_6 = arith.constant 0 : index
    %get3A_7 = arith.constant 0 : index
    %get3A_8 = vector.load %arg1[%get3A_6, %get3A_7] : memref<2048x128xf32, #tpu.memory_space<vmem>>, vector<2048x128xf32>
    %get3A_9 = arith.constant 0 : index
    %get3A_10 = arith.constant 0 : index
    %get3A_11 = vector.load %arg3[%get3A_9, %get3A_10] : memref<128x128xf32, #tpu.memory_space<vmem>>, vector<128x128xf32>
    %dot_general3A_12 = arith.constant dense<0.000000e+00> : vector<2048x128xf32>
    %dot_general3A_13 = tpu.matmul %get3A_8, %get3A_11, %dot_general3A_12 {dimension_numbers = #tpu.dot_dimension_numbers<[1], [0], [0], [1], [0, 0, 1, 1], [], []>, transpose_lhs_hint = false} : vector<2048x128xf32>, vector<128x128xf32>, vector<2048x128xf32> -> vector<2048x128xf32>
    %add3A = arith.addf %dot_general3A_5, %dot_general3A_13 : vector<2048x128xf32>
    %get3A_14 = arith.constant 0 : index
    %get3A_15 = arith.constant 0 : index
    %get3A_16 = vector.load %arg4[%get3A_14, %get3A_15] : memref<1x128xf32, #tpu.memory_space<vmem>>, vector<1x128xf32>
    %add3A_17 = vector.broadcast %get3A_16 : vector<1x128xf32> to vector<2048x128xf32>
    %add3A_18 = arith.addf %add3A, %add3A_17 : vector<2048x128xf32>
    %get3A_19 = arith.constant 0 : index
    %get3A_20 = arith.constant 0 : index
    %get3A_21 = vector.load %arg5[%get3A_19, %get3A_20] : memref<2048x1xf32, #tpu.memory_space<vmem>>, vector<2048x1xf32>
    %mul3A = vector.broadcast %get3A_21 : vector<2048x1xf32> to vector<2048x128xf32>
    %mul3A_22 = arith.mulf %add3A_18, %mul3A : vector<2048x128xf32>
    %swap3A = arith.constant 0 : index
    %swap3A_23 = arith.constant 0 : index
    %swap3A_24 = vector.load %arg6[%swap3A, %swap3A_23] : memref<2048x128xf32, #tpu.memory_space<vmem>>, vector<2048x128xf32>
    tpu.vector_store %arg6[%swap3A, %swap3A_23], %mul3A_22 {strides = array<i32>} : memref<2048x128xf32, #tpu.memory_space<vmem>>, vector<2048x128xf32>,
    return
  }
}

</mosaic_0001>

<sc_bundles>
// kernel: kernel.5.cloned.1.call-start
scs
__scs_entry_jumppad:
0x0: {  	(pc) =	sbr.rel $0x88, $3  }
0x1: {  	(tag) =	ssettag $0x0;
	lr =	simm.s32 $0x1  }
0x2: {  	[smem:$0x3F9C] =	sst lr;
	_ =	strace $0xD0000000  }
0x3: {  	_ = 	snop  }
0x4: {  	_ = 	snop  }
0x5: {  	_ = 	snop  }
0x6: {  	_ = 	snop  }
0x7: {  	_ = 	snop  }
__scs_overlays_trampoline_lowered:
0x8: {  	[smem:$0x3FAB] =	sst s0  }
0x9: {  	[smem:$0x3FAC] =	sst s1  }
0xa: {  	[smem:$0x3FAD] =	sst s2  }
0xb: {  	[smem:$0x3FAE] =	sst s3  }
0xc: {  	[smem:$0x3FAF] =	sst s4  }
0xd: {  	[smem:$0x3FB0] =	sst s5  }
0xe: {  	[smem:$0x3FB1] =	sst s6  }
0xf: {  	[smem:$0x3FB2] =	sst s7  }
0x10: {  	[smem:$0x3FB3] =	sst s8  }
0x11: {  	[smem:$0x3FB4] =	sst s9;
	s0 =	simm.s32 @!p0 $0x0  }
0x12: {  	s1 =	sld [smem:$0x3F9A];
	s0 =	simm.s32 @p0 $0x1  }
0x13: {  	[smem:$0x3FB5] =	sst s0;
	s0 =	simm.s32 @!p1 $0x0  }
0x14: {  	s2 =	sld [smem:$0x3F99];
	s0 =	simm.s32 @p1 $0x1  }
0x15: {  	[smem:$0x3FB6] =	sst s0;
	s0 =	simm.s32 @!p2 $0x0  }
0x16: {  	s3 =	sld [smem:$0x3FDB];
	s0 =	simm.s32 @p2 $0x1  }
0x17: {  	s4 =	simm.s32 $0x1BF5;
	[smem:$0x3FB8] =	sst s0  }
0x18: {  	s0 =	sld [smem:$0x3F9B];
	_ =	swait.ge [sflag:s4], $0x0  }
0x19: {  	s7 =	sld [smem:$0x3F9C]  }
0x1a: {  	s8 =	sadd.s32 $0xFFFFE003, lr  }
0x1b: {  	s9 =	sadd.s32 $0xFFFFFEF7, lr;
	s5 =	simm.s32 $0xFFFFFFFF;
	p2 =	slt.u32 s8, $0xFFFFF086  }
0x1c: {  	p1 =	slt.u32 s9, $0xF7A;
	s5 =	simm.s32 @!p2 $0x0  }
0x1d: {  	s5 =	simm.s32 @p1 $0x1;
	p0 =	seq.s32 s7, s2  }
0x1e: {  	s7 =	smul.u32 @!p0 $0xF7A, s2;
	p2 =	seq.s32 @!p0 s5, $0x0  }
0x1f: {  	s9 =	smul.u32 $0xF7A, s1;
	s8 =	simm.s32 @!p0 $0x1BF5;
	p2 =	por !p2, p0  }
0x20: {  	[sflag:s8] =	ssyncset.s32 @!p0 $0xFFFFF086;
	s6 =	sadd.s32 @!p0 s3, s7;
	s7 =	simm.s32 @!p0 $0x108  }
0x21: {  	s3 =	sadd.s32 s3, s9;
	s6 =	sadd.s32 @!p0 $0x88, s6;
	s7 =	simm.s32 @p2 $0x1082  }
0x22: {  	[simem:s7], [sflag:s8] =	dma.local @!p0 [hbm:s6], $0xF7A  }
0x23: {  	s9 =	sor.u32 $0xD0000000, s2;
	s6 =	simm.s32 $0x108;
	_ =	swait.ge @!p0 [sflag:s8], $0x0  }
0x24: {  	s3 =	sadd.s32 $0x88, s3;
	s6 =	simm.s32 @!p1 $0x1082;
	[sflag:s4] =	ssyncset.s32 $0xFFFFF086  }
0x25: {  	[simem:s6], [sflag:s4] =	dma.local [hbm:s3], $0xF7A  }
0x26: {  	[smem:$0x3F9C] =	sst s1;
	(tag) =	ssettag s2;
	_ =	strace s9  }
0x27: {  	s1 =	sld [smem:$0x3FAC]  }
0x28: {  	s2 =	sld [smem:$0x3FAD]  }
0x29: {  	s4 =	sld [smem:$0x3FAF]  }
0x2a: {  	p0 =	seq.s32 s5, $0x0;
	s5 =	sld [smem:$0x3FB0]  }
0x2b: {  	s6 =	sld [smem:$0x3FB1]  }
0x2c: {  	s7 =	sld [smem:$0x3FB2]  }
0x2d: {  	s3 =	simm.s32 $0x108;
	s8 =	sld [smem:$0x3FB3]  }
0x2e: {  	s3 =	simm.s32 @!p0 $0x1082;
	s9 =	sld [smem:$0x3FB4]  }
0x2f: {  	lr =	sadd.s32 s0, s3;
	s0 =	sld [smem:$0x3FAB]  }
0x30: {  	s3 =	sld [smem:$0x3FAE]  }
0x31: {  	[smem:$0x3FB7] =	sst s10  }
0x32: {  	s10 =	sld [smem:$0x3FB5];
	_ =	sdelay $0x3  }
0x33: {  	p0 =	seq.s32 s10, $0x1;
	s10 =	sld [smem:$0x3FB7];
	_ =	sdelay $0x3  }
0x34: {  	[smem:$0x3FB7] =	sst s10  }
0x35: {  	s10 =	sld [smem:$0x3FB6];
	_ =	sdelay $0x3  }
0x36: {  	p1 =	seq.s32 s10, $0x1;
	s10 =	sld [smem:$0x3FB7];
	_ =	sdelay $0x3  }
0x37: {  	[smem:$0x3FB7] =	sst s10  }
0x38: {  	s10 =	sld [smem:$0x3FB8]  }
0x39: {  	_ = 	snop;
	(pc) =	sbr.ind lr, $3  }
0x3a: {  	_ = 	snop  }
0x3b: {  	_ = 	snop  }
0x3c: {  	p2 =	seq.s32 s10, $0x1;
	s10 =	sld [smem:$0x3FB7]  }
0x3d: {  	_ =	shalt  }
0x3e: {  	_ =	shalt  }
0x3f: {  	_ =	shalt  }
0x40: {  	_ =	shalt  }
0x41: {  	_ =	shalt  }
0x42: {  	_ =	shalt  }
0x43: {  	_ =	shalt  }
0x44: {  	_ =	shalt  }
0x45: {  	_ =	shalt  }
0x46: {  	_ =	shalt  }
0x47: {  	_ =	shalt  }
0x48: {  	_ =	shalt  }
0x49: {  	_ =	shalt  }
0x4a: {  	_ =	shalt  }
0x4b: {  	_ =	shalt  }
0x4c: {  	_ =	shalt  }
0x4d: {  	_ =	shalt  }
0x4e: {  	_ =	shalt  }
0x4f: {  	_ =	shalt  }
0x50: {  	_ =	shalt  }
0x51: {  	_ =	shalt  }
0x52: {  	_ =	shalt  }
0x53: {  	_ =	shalt  }
0x54: {  	_ =	shalt  }
0x55: {  	_ =	shalt  }
0x56: {  	_ =	shalt  }
0x57: {  	_ =	shalt  }
0x58: {  	_ =	shalt  }
0x59: {  	_ =	shalt  }
0x5a: {  	_ =	shalt  }
0x5b: {  	_ =	shalt  }
0x5c: {  	_ =	shalt  }
0x5d: {  	_ =	shalt  }
0x5e: {  	_ =	shalt  }
0x5f: {  	_ =	shalt  }
0x60: {  	_ =	shalt  }
0x61: {  	_ =	shalt  }
0x62: {  	_ =	shalt  }
0x63: {  	_ =	shalt  }
0x64: {  	_ =	shalt  }
0x65: {  	_ =	shalt  }
0x66: {  	_ =	shalt  }
0x67: {  	_ =	shalt  }
0x68: {  	_ =	shalt  }
0x69: {  	_ =	shalt  }
0x6a: {  	_ =	shalt  }
0x6b: {  	_ =	shalt  }
0x6c: {  	_ =	shalt  }
0x6d: {  	_ =	shalt  }
0x6e: {  	_ =	shalt  }
0x6f: {  	_ =	shalt  }
0x70: {  	_ =	shalt  }
0x71: {  	_ =	shalt  }
0x72: {  	_ =	shalt  }
0x73: {  	_ =	shalt  }
0x74: {  	_ =	shalt  }
0x75: {  	_ =	shalt  }
0x76: {  	_ =	shalt  }
0x77: {  	_ =	shalt  }
0x78: {  	_ =	shalt  }
0x79: {  	_ =	shalt  }
0x7a: {  	_ =	shalt  }
0x7b: {  	_ =	shalt  }
0x7c: {  	_ =	shalt  }
0x7d: {  	_ =	shalt  }
0x7e: {  	_ =	shalt  }
0x7f: {  	_ =	shalt  }
0x80: {  	_ =	shalt  }
0x81: {  	_ =	shalt  }
0x82: {  	_ =	shalt  }
0x83: {  	_ =	shalt  }
0x84: {  	_ =	shalt  }
0x85: {  	_ =	shalt  }
0x86: {  	_ =	shalt  }
0x87: {  	_ =	shalt  }
.Lfunc_end0:
.L_simem_size_0:
called_computation_lowered:
.L_overlay_start_0:
0x88: {  	s2 =	sld [smem:$0x3FD9]  }
0x89: {  	s3 =	sld [smem:$0x3FFE];
	_ =	sdelay $0x1  }
0x8a: {  	s1 =	srdreg.scid  }
0x8b: {  	s0 =	sand.u32 $0x1, s1  }
0x8c: {  	s14 =	sshll.u32 s0, $0xA;
	s2 =	sadd.s32 s3, s2  }
0x8d: {  	s2 =	sadd.s32 s2, s14  }
0x8e: {  	[smem:$0x3FC3] =	sst s2  }
0x8f: {  	_ = 	snop  }
0x90: {  	s2 =	sld [smem:$0x3FD0];
	_ =	sdelay $0x2  }
0x91: {  	s4 =	simm.s32 $0xA;
	s5 =	simm.s32 $0x10;
	s15 =	sld [smem:$0x3FC9]  }
0x92: {  	[smem:s5], [sflag:s4] =	dma.local [hbm:s2], $0x1  }
0x93: {  	_ =	swait.eq [sflag:s4], $0x1  }
0x94: {  	[sflag:s4] =	ssyncset.done $0x0  }
0x95: {  	s16 =	sld [smem:$0x10];
	[sflag:s4] =	ssyncadd.s32 $0xFFFFFFFF  }
0x96: {  	s17 =	sld [smem:$0x12];
	(tm) =	ssettm $0x1  }
0x97: {  	s18 =	sld [smem:$0x3FFB];
	_ =	sdelay $0x3  }
0x98: {  	_ =	strace s18  }
0x99: {  	s5 =	sld [smem:$0x3FFC];
	_ =	sdelay $0x3  }
0x9a: {  	_ =	strace s5  }
0x9b: {  	s5 =	sld [smem:$0x3FFD];
	_ =	sdelay $0x3  }
0x9c: {  	_ =	strace s5  }
0x9d: {  	_ =	strace $0x8FFFFFFF  }
0x9e: {  	s19 =	sld [smem:$0x3FDB];
	_ =	sdelay $0x1  }
0x9f: {  	s6 =	simm.s32 $_scs_section_size  }
0xa0: {  	s7 =	simm.s32 $_size__tile_overlayer_lowered;
	s8 =	simm.s32 $_tile_overlayer_lowered  }
0xa1: {  	s22 =	simm.s32 $0x1BFF;
	s21 =	sshll.u32 s8, $0x1;
	s5 =	sadd.s32 s6, s19  }
0xa2: {  	s9 =	simm.s32 $0x0;
	s20 =	sshll.u32 s7, $0x1;
	s7 =	sadd.s32 s21, s5  }
0xa3: {  	[timem:s9], [sflag:s22] =	dma.local [hbm:s7], s20  }
0xa4: {  	_ =	swait.ge [sflag:s22], s20  }
0xa5: {  	s6 =	ssub.s32 $0x0, s20;
	[sflag:s22] =	ssyncset.done $0x0  }
0xa6: {  	[sflag:s22] =	ssyncadd.s32 s6;
	_ =	sdelay $0x1  }
0xa7: {  	s23 =	simm.s32 $0x1B8B  }
0xa8: {  	_ =	swait.ge [sflag:s23], $0x1  }
0xa9: {  	[sflag:s23] =	ssyncset.done $0x0  }
0xaa: {  	s25 =	simm.s32 $0x1B8E;
	s24 =	sld [smem:$0x3FFE];
	[sflag:s23] =	ssyncadd.s32 $0xFFFFFFFF  }
0xab: {  	s26 =	simm.s32 $execute0_lowered;
	[smem:$0x3FD2] =	sst s25  }
0xac: {  	s7 =	sshll.u32 s26, $0x1;
	_ =	strace $0x80000046;
	[dreg:$0x1] =	wrdreg $0xFFFFFFFF  }
0xad: {  	s28 =	simm.s32 $_size_execute0_lowered;
	s5 =	sadd.s32 s5, s7;
	[dreg:$0x0] =	wrdreg $0x0  }
0xae: {  	s7 =	sshll.u32 s28, $0x1;
	[dreg:$0x2] =	wrdreg s5  }
0xaf: {  	[dreg:$0x3] =	wrdreg s7  }
0xb0: {  	[dreg:$0x4] =	wrdreg $0xC0  }
0xb1: {  	_ =	task [dreg:s9], $0x5FFFF  }
0xb2: {  	[dreg:$0x1] =	wrdreg $0xFFFFFFFF  }
0xb3: {  	[dreg:$0x0] =	wrdreg $0x60  }
0xb4: {  	[dreg:$0x2] =	wrdreg s24  }
0xb5: {  	[dreg:$0x3] =	wrdreg s17  }
0xb6: {  	[dreg:$0x4] =	wrdreg s15  }
0xb7: {  	[dreg:$0x5] =	wrdreg s16  }
0xb8: {  	[dreg:$0x6] =	wrdreg $0x9  }
0xb9: {  	_ =	task.clear_ibuf [dreg:s9], $0x7FFFF;
	_ =	strace $0x90000046  }
0xba: {  	s29 =	simm.s32 $0x9;
	_ =	strace $0x80000048  }
0xbb: {  	_ =	swait.ge [sflag:s29], $0x1  }
0xbc: {  	[sflag:s29] =	ssyncadd.s32 $0xFFFFFFFF  }
0xbd: {  	_ =	strace $0x90000048  }
0xbe: {  	_ =	sfence  }
0xbf: {  	s30 =	sld [smem:$0x0];
	_ =	sdelay $0x2  }
0xc0: {  	s31 =	sshll.u32 s1, $0xD;
	s1 =	sshrl.u32 s1, $0x2  }
0xc1: {  	s3 =	sand.u32 $0x4000, s31;
	s1 =	sadd.s32 s1, s30  }
0xc2: {  	s0 =	sor.u32 s3, s0;
	s1 =	sshll.u32 s1, $0x11  }
0xc3: {  	s0 =	sor.u32 s1, s0  }
0xc4: {  	s0 =	sadd.s32 $0x8F2B, s0  }
0xc5: {  	[sflag:s0] =	ssyncadd.remote.s32 $0x1  }
0xc6: {  	_ =	sfence.sel $0xFFFF  }
0xc7: {  	[dreg:$0x0] =	wrdreg $0xFFFFFFFF;
	(pc) =	sbr.abs _section_cstart, $3  }
0xc8: {  	[dreg:$0x1] =	wrdreg $0xFFFFFFFF  }
0xc9: {  	_ =	task.clear_ibuf [dreg:s9], $0x2FFFF;
	_ =	strace $0x9FFFFFFF  }
0xca: {  	(tm) =	ssettm $0x7FFFFFFF  }
0xcb: {  	_ =	shalt  }
tec
execute0_lowered:
.L_overlay_start_1:
0x0: {  	(tag) =	ssettag $0x1  }
0x1: {  	s0 =	rddreg [dreg:$0x0]  }
0x2: {  	s1 =	rddreg [dreg:$0x1]  }
0x3: {  	s2 =	rddreg [dreg:$0x2];
	s3 =	simm.s32 $0x0  }
0x4: {  	[smem:$0x7FF] =	sst s3  }
0x5: {  	s13 =	rddreg [dreg:$0x3];
	v0 =	vimm.f32 $0.0e+00;
	_ =	strace $0x80000047  }
0x6: {  	(xrf2) =	vadd.scan.msk.f32 $0xffff, v0;
	_ =	sdelay $0x9  }
0x7: {  	v0, _, _ =	vpop (xrf2)  }
0x8: {  	(v2sf) =	vpush v0, $0xF;
	_ =	sdelay $0x3  }
0x9: {  	s7 =	srdreg.scid  }
0xa: {  	s4 =	stileid.u32;
	s18 =	simm.s32 $0x1;
	s19 =	simm.s32 $0x20  }
0xb: {  	s20 =	simm.s32 $0xE080;
	s21 =	simm.s32 $0xE100;
	s22 =	simm.s32 $0xF100  }
0xc: {  	s23 =	simm.s32 $0x10100;
	s24 =	simm.s32 $0x0;
	s5 =	sadd.s32 $0xC6600, s0  }
0xd: {  	s6 =	sadd.s32 $0x3000, s0;
	s7 =	sand.u32 $0x1, s7;
	s8 =	sshll.u32 s4, $0x1  }
0xe: {  	s14 =	sadd.s32 $0xC8200, s0;
	s9 =	ssub.s32 $0x2, s7;
	s7 =	sor.u32 s7, s8  }
0xf: {  	s0 =	sadd.s32 $0xC8000, s0;
	s31 =	sshrl.u32 s9, $0x1;
	s10 =	sshll.u32 s7, $0x9  }
.Ltmp0:
0x10: {  	s12 =	sshll.u32 s7, $0x2;
	s11 =	sor.u32 $0x20, s7;
	(pc) =	sbr.rel .LBB2_1-.Ltmp0, $4  }
0x11: {  	v2 =	vmov s7;
	s16 =	ssub.s32 s9, s31;
	s9 =	sadd.s32 s13, s10;
	s10 =	sadd.s32 s14, s10;
	v0 =	vlaneseq.u32  }
0x12: {  	s12 =	sadd.s32 s0, s12;
	s15 =	sshll.u32 s11, $0x9;
	s17 =	sshll.u32 s11, $0x2;
	v3 =	vmov s11;
	v1 =	vor.u32 $0x10, v0;
	vm1 =	vgt.u32 v2, v0  }
0x13: {  	s13 =	sadd.s32 s13, s15;
	s14 =	sadd.s32 s14, s15;
	s15 =	sadd.s32 s0, s17;
	v4 =	vor.u32 $0x20, v0;
	vm0 =	vgt.u32 v2, v1;
	v2 =	vor.u32 $0x30, v0  }
0x14: {  	s16 =	smax.u32 s16, $0x1;
	s17 =	simm.s32 $0x2;
	vm3 =	vgt.u32 v3, v4;
	vm2 =	vgt.u32 v3, v2;
	v2 =	vimm.s32 $0x0;
	s8 =	spop (v2sf)  }
.LBB2_41:
0x15: {  	v3 =	vbroadcast v3, $0x0;
	_ =	sdelay $0x1  }
0x16: {  	[tilespmem:$0xE080] =	vst v5;
	vm4 =	vgt.s32 v3, v0  }
0x17: {  	[tilespmem:$0xE090] =	vst v4;
	v63 =	vsel vm4, $0x3F800000, v2;
	vm4 =	vgt.s32 v3, v1  }
0x18: {  	[tilespmem:$0x10100] =	vst v63;
	v3 =	vsel vm4, $0x3F800000, v2  }
0x19: {  	[tilespmem:$0x10110] =	vst v3  }
0x1a: {  	[tilespmem:s21], [sflag:$0x1] =	stream.indirect.gather [hbm4b:s2+s19], $0x80, s20, s19, $0xb8;
	[tilespmem:$0x10180] =	vst v63  }
0x1b: {  	_ = 	snop  }
0x1c: {  	[tilespmem:s22], [sflag:$0x1] =	stream.indirect.gather [hbm4b:s6+s19], $0x80, s20, s19, $0xb8;
	[tilespmem:$0x10180] =	vst v63  }
0x1d: {  	_ =	swait.ge [sflag:s18], $0x1000  }
0x1e: {  	[sflag:s18] =	ssyncset.done $0x0  }
0x1f: {  	[sflag:s18] =	ssyncadd.s32 $0xFFFFF000  }
0x20: {  	_ =	swait.ge [sflag:s18], $0x1000  }
0x21: {  	[sflag:s18] =	ssyncset.done $0x0  }
0x22: {  	[sflag:s18] =	ssyncadd.s32 $0xFFFFF000  }
0x23: {  	[hbm4b:s13+s3] =	stream.linear.scatter [tilespmem:s21], [sflag:$0x2], $0x1000, $0x38;
	[tilespmem:$0x10180] =	vst v63  }
0x24: {  	_ =	swait.ge [sflag:s17], $0x1000  }
0x25: {  	[sflag:s17] =	ssyncset.done $0x0  }
0x26: {  	[sflag:s17] =	ssyncadd.s32 $0xFFFFF000  }
0x27: {  	[hbm4b:s14+s3] =	stream.linear.scatter [tilespmem:s22], [sflag:$0x2], $0x1000, $0x38;
	[tilespmem:$0x10180] =	vst v63  }
0x28: {  	s24 =	sadd.s32 $0x1, s24;
	_ =	swait.ge [sflag:s17], $0x1000  }
0x29: {  	p0 =	sne.s32 s24, s16;
	[sflag:s17] =	ssyncset.done $0x0  }
.Ltmp1:
0x2a: {  	[sflag:s17] =	ssyncadd.s32 $0xFFFFF000;
	(pc) =	sbr.rel @!p0 .LBB2_42-.Ltmp1, $4  }
0x2b: {  	[hbm4b:s15+s3] =	stream.linear.scatter [tilespmem:s23], [sflag:$0x2], $0x20, $0x38;
	[tilespmem:$0x10180] =	vst v63  }
0x2c: {  	_ =	swait.ge [sflag:s17], $0x20  }
0x2d: {  	[sflag:s17] =	ssyncset.done $0x0  }
0x2e: {  	[sflag:s17] =	ssyncadd.s32 $0xFFFFFFE0  }
.LBB2_1:
0x2f: {  	[tilespmem:s3], [sflag:$0x2] =	stream.linear.gather [hbm4b:s1+s3], $0x40, $0x38;
	[tilespmem:$0x10180] =	vst v63  }
0x30: {  	_ =	swait.ge [sflag:s17], $0x40  }
0x31: {  	[sflag:s17] =	ssyncset.done $0x0  }
0x32: {  	[sflag:s17] =	ssyncadd.s32 $0xFFFFFFC0  }
0x33: {  	v3 =	vld [tilespmem:$0x0];
	_ =	sdelay $0x1  }
0x34: {  	v4 =	vld [tilespmem:$0x10];
	_ =	sdelay $0x2  }
0x35: {  	v3 =	vcvt.s32.f32 v3;
	_ =	sdelay $0x1  }
0x36: {  	v4 =	vcvt.s32.f32 v4;
	v3 =	vnsel vm1, $0x0, v3  }
0x37: {  	(xrf2) =	vadd.scan.msk.f32 $0xffff, v3  }
0x38: {  	v3 =	vnsel vm0, $0x0, v4  }
0x39: {  	(xrf2) =	vadd.scan.msk.f32 $0xffff, v3;
	_ =	sdelay $0x2  }
0x3a: {  	v3 =	vld [tilespmem:s7+$0x0];
	_ =	sdelay $0x4  }
0x3b: {  	(v2sf) =	vpush v3, $0x0;
	v4, _, _ =	vpop (xrf2)  }
0x3c: {  	(v2sf) =	vpush v4, $0xF  }
0x3d: {  	v4, _, _ =	vpop (xrf2)  }
0x3e: {  	(v2sf) =	vpush v4, $0xF;
	_ =	sdelay $0xb  }
0x3f: {  	s0 =	spop (v2sf)  }
0x40: {  	s25 =	spop (v2sf)  }
0x41: {  	s25 =	sadd.f32 $0.0e+00, s25  }
0x42: {  	s26 =	spop (v2sf)  }
0x43: {  	s25 =	sadd.f32 s26, s25;
	_ =	sdelay $0x1  }
0x44: {  	s25 =	sadd.f32 s25, s8;
	_ =	sdelay $0x1  }
0x45: {  	s25 =	sadd.f32 s25, s8;
	_ =	sdelay $0x1  }
0x46: {  	s29 =	scvt.f32.s32 s25;
	_ =	sdelay $0x1  }
0x47: {  	s25 =	sand.u32 $0x7, s29  }
0x48: {  	s4 =	sshra.s32 s29, $0x1F;
	p0 =	slt.s32 s29, $0x1;
	p1 =	sne.s32 s25, $0x0  }
0x49: {  	s31 =	sshrl.u32 s4, $0x1D;
	p0 =	por !p0, !p1  }
0x4a: {  	s26 =	simm.s32 $0x1;
	s25 =	sadd.s32 s31, s29;
	p0 =	por !p0, !p0  }
0x4b: {  	s25 =	sshrl.u32 s25, $0x3;
	s26 =	simm.s32 @!p0 $0x0  }
0x4c: {  	s25 =	ssub.s32 s25, s26  }
0x4d: {  	s30 =	sadd.s32 s29, s0;
	s25 =	sshll.u32 s25, $0x3  }
0x4e: {  	s28 =	ssub.s32 s30, s25  }
0x4f: {  	s0 =	sadd.s32 $0x7FF, s28  }
0x50: {  	s4 =	sand.u32 $0x7FF, s0  }
0x51: {  	s31 =	sshra.s32 s0, $0x1F;
	p6 =	slt.s32 s0, $0x1;
	p5 =	sne.s32 s4, $0x0  }
0x52: {  	s26 =	sshrl.u32 s31, $0x15;
	p0 =	por !p6, !p5  }
0x53: {  	s0 =	sadd.s32 s26, s0;
	s26 =	simm.s32 $0x1;
	p0 =	por !p0, !p0  }
0x54: {  	s0 =	sshra.s32 s0, $0xB;
	s26 =	simm.s32 @!p0 $0x0  }
0x55: {  	s0 =	ssub.s32 s0, s26  }
0x56: {  	p0 =	sgt.s32 s0, $0x0  }
.Ltmp2:
0x57: {  	_ = 	snop;
	(pc) =	sbr.rel @!p0 .LBB2_2-.Ltmp2, $2  }
0x58: {  	_ =	sdelay $0x2  }
0x59: {  	s26 =	simm.s32 $0x80  }
0x5a: {  	p0 =	seq.s32 s0, $0x1  }
.Ltmp3:
0x5b: {  	_ = 	snop;
	(pc) =	sbr.rel @p0 .LBB2_7-.Ltmp3, $4  }
0x5c: {  	s31 =	sshrl.u32 s25, $0x3  }
0x5d: {  	s31 =	sadd.s32 s5, s31  }
0x5e: {  	[tilespmem:s26], [sflag:$0x2] =	stream.linear.gather [hbm4b:s31+s3], $0x800, $0x38;
	[tilespmem:$0x10180] =	vst v63  }
0x5f: {  	s31 =	sadd.s32 $0xFFFFFFFF, s0;
	s0 =	sadd.s32 $0x800, s25;
	_ =	swait.ge [sflag:s17], $0x800  }
.LBB2_6:
0x60: {  	s4 =	sshrl.u32 s0, $0x3  }
0x61: {  	[sflag:s17] =	ssyncset.done $0x0;
	s26 =	sadd.s32 $0x800, s26;
	p0 =	seq.s32 s31, $0x1  }
.Ltmp4:
0x62: {  	s4 =	sadd.s32 s5, s4;
	[sflag:s17] =	ssyncadd.s32 $0xFFFFF800;
	(pc) =	sbr.rel @!p0 .LBB2_6-.Ltmp4, $3  }
0x63: {  	[tilespmem:s26], [sflag:$0x2] =	stream.linear.gather [hbm4b:s4+s3], $0x800, $0x38;
	[tilespmem:$0x10180] =	vst v63  }
0x64: {  	s31 =	sadd.s32 $0xFFFFFFFF, s31;
	_ =	sdelay $0x1  }
0x65: {  	s0 =	sadd.s32 $0x800, s0;
	_ =	swait.ge [sflag:s17], $0x800  }
.LBB2_7:
0x66: {  	[sflag:s17] =	ssyncset.done $0x0  }
0x67: {  	[sflag:s17] =	ssyncadd.s32 $0xFFFFF800  }
.LBB2_2:
0x68: {  	s0 =	sadd.s32 $0xF, s28  }
0x69: {  	s26 =	sand.u32 $0xF, s0  }
0x6a: {  	s31 =	sshra.s32 s0, $0x1F;
	p0 =	slt.s32 s0, $0x1;
	p1 =	sne.s32 s26, $0x0  }
0x6b: {  	s31 =	sshrl.u32 s31, $0x1C;
	p0 =	por !p0, !p1  }
0x6c: {  	s26 =	simm.s32 $0x1;
	s0 =	sadd.s32 s31, s0;
	p0 =	por !p0, !p0  }
0x6d: {  	s0 =	sshra.s32 s0, $0x4;
	s26 =	simm.s32 @!p0 $0x0  }
0x6e: {  	s26 =	ssub.s32 s0, s26  }
0x6f: {  	p0 =	slt.s32 s26, $0x1  }
.Ltmp5:
0x70: {  	_ = 	snop;
	(pc) =	sbr.rel @p0 .LBB2_12-.Ltmp5, $1  }
0x71: {  	_ =	sdelay $0x3  }
0x72: {  	p2 =	seq.s32 s26, $0x1  }
.Ltmp6:
0x73: {  	_ = 	snop;
	(pc) =	sbr.rel @p2 .LBB2_4-.Ltmp6, $3  }
0x74: {  	_ =	sdelay $0x1  }
0x75: {  	v4 =	vmov s29;
	s29 =	simm.s32 $0x80  }
0x76: {  	v5 =	vmov s30;
	s0 =	sadd.s32 $0xFFFFFFFF, s26;
	p1 =	por $0x0, $0x0;
	v6 =	vld [tilespmem:s29+$0x0]  }
0x77: {  	_ = 	snop  }
0x78: {  	v7 =	vadd.s32 s25, v0;
	p2 =	seq.s32 s0, $0x1  }
.Ltmp7:
0x79: {  	vm4 =	vge.s32 v7, v4;
	vm5 =	vlt.s32 v7, v5;
	(pc) =	sbr.rel @p2 .LBB2_9-.Ltmp7, $4  }
0x7a: {  	vm4 =	vmand vm4, vm5  }
0x7b: {  	v6 =	vnsel vm4, $0xFF800000, v6  }
0x7c: {  	[tilespmem:s29+$0x0] =	vst v6;
	s29 =	simm.s32 $0x90  }
0x7d: {  	s31 =	sadd.s32 $0xFFFFFFFF, s0;
	p1 =	por $0x1, $0x1;
	s30 =	smov.u32 s25;
	v6 =	vld [tilespmem:s29+$0x0]  }
.LBB2_10:
0x7e: {  	p2 =	seq.s32 s31, $0x1;
	s30 =	sadd.s32 $0x10, s30  }
0x7f: {  	v7 =	vadd.s32 s30, v0  }
.Ltmp8:
0x80: {  	vm4 =	vge.s32 v7, v4;
	vm5 =	vlt.s32 v7, v5;
	(pc) =	sbr.rel @!p2 .LBB2_10-.Ltmp8, $4  }
0x81: {  	vm4 =	vmand vm4, vm5  }
0x82: {  	v6 =	vnsel vm4, $0xFF800000, v6  }
0x83: {  	[tilespmem:s29+$0x0] =	vst v6;
	s29 =	sadd.s32 $0x10, s29  }
0x84: {  	s31 =	sadd.s32 $0xFFFFFFFF, s31;
	v6 =	vld [tilespmem:s29+$0x0]  }
.LBB2_11:
0x85: {  	s0 =	sadd.s32 @p1 $0x10, s30;
	s4 =	smov.u32 s25  }
0x86: {  	s4 =	smov.u32 @p1 s0  }
0x87: {  	v7 =	vadd.s32 s4, v0  }
0x88: {  	vm4 =	vge.s32 v7, v4;
	vm5 =	vlt.s32 v7, v5  }
0x89: {  	vm4 =	vmand vm4, vm5  }
0x8a: {  	v4 =	vnsel vm4, $0xFF800000, v6  }
0x8b: {  	[tilespmem:s29+$0x0] =	vst v4  }
.LBB2_12:
.Ltmp9:
0x8c: {  	(pc) =	sbr.rel .LBB2_13-.Ltmp9, $4  }
0x8d: {  	_ = 	snop  }
0x8e: {  	s28 =	sadd.s32 $0xFFFFFFFF, s28  }
0x8f: {  	p1 =	sgt.s32 s28, $0x0  }
0x90: {  	s29 =	simm.s32 $0x0;
	v4 =	vimm.s32 $0x0;
	v5 =	vimm.s32 $0x0;
	s28 =	simm.s32 @!p1 $0x0  }
.LBB2_14:
0x91: {  	v6 =	vimm.s32 $0xC0000000  }
.LBB2_20:
0x92: {  	(xrf0) =	vmin.scan.msk.u32 $0xffff, v6;
	_ =	sdelay $0x5  }
0x93: {  	v6, _, _ =	vpop (xrf0)  }
0x94: {  	(v2sf) =	vpush v6, $0xF;
	_ =	sdelay $0xe  }
0x95: {  	s0 =	spop (v2sf)  }
0x96: {  	s4 =	sxor.u32 $0x80000000, s0  }
0x97: {  	s30 =	smov.u32 s28;
	p1 =	slt.s32 s4, s28  }
0x98: {  	s30 =	smov.u32 @p1 s4  }
0x99: {  	s4 =	sshra.s32 s30, $0x1F  }
0x9a: {  	s4 =	sshrl.u32 s4, $0x1C  }
0x9b: {  	s4 =	sadd.s32 s4, s30  }
0x9c: {  	p2 =	sgt.s32 s0, $0xFFFFFFFF;
	p1 =	slt.s32 s30, $0x1;
	s31 =	sand.u32 $0xFFFFFFF0, s4  }
0x9d: {  	p1 =	por p2, p1;
	p6 =	sne.s32 s30, s31  }
0x9e: {  	p1 =	por !p1, !p6  }
0x9f: {  	s0 =	simm.s32 $0x1;
	p1 =	por !p1, !p1  }
0xa0: {  	s4 =	sshrl.u32 s4, $0x4;
	s0 =	simm.s32 @!p1 $0x0  }
0xa1: {  	s0 =	ssub.s32 s4, s0  }
0xa2: {  	s0 =	sshll.u32 s0, $0x6  }
0xa3: {  	s4 =	sand.u32 $0xF, s30;
	s30 =	sadd.s32 s25, s30;
	s0 =	sshra.s32 s0, $0x2  }
0xa4: {  	v7 =	vmov s29;
	s31 =	sadd.s32 $0xFFFFFFF0, s29;
	s29 =	sadd.s32 $0x1, s29;
	p1 =	slt.s32 s30, $0xC34F;
	v6 =	vld [tilespmem:s0+$0x80]  }
0xa5: {  	s30 =	simm.s32 @!p1 $0xC34F;
	p1 =	sne.s32 s29, $0x20  }
.Ltmp10:
0xa6: {  	_ = 	snop;
	(pc) =	sbr.rel @!p1 .LBB2_21-.Ltmp10, $4  }
0xa7: {  	v8 =	vmov s4  }
0xa8: {  	v63 =	vmov s31;
	vm4 =	veq.s32 v8, v0  }
0xa9: {  	vm5 =	veq.s32 v7, v0;
	v6 =	vsel vm4, $0xFF800000, v6;
	vm4 =	veq.s32 v63, v0  }
0xaa: {  	v5 =	vsel vm5, s30, v5;
	v4 =	vsel vm4, s30, v4;
	[tilespmem:s0+$0x80] =	vst v6  }
.LBB2_13:
.Ltmp11:
0xab: {  	(pc) =	sbr.rel @p0 .LBB2_14-.Ltmp11, $1  }
0xac: {  	_ =	sdelay $0x3  }
0xad: {  	p1 =	sne.s32 s26, $0x1  }
.Ltmp12:
0xae: {  	_ = 	snop;
	(pc) =	sbr.rel @!p1 .LBB2_17-.Ltmp12, $3  }
0xaf: {  	_ =	sdelay $0x1  }
0xb0: {  	s0 =	simm.s32 $0x80  }
0xb1: {  	v6 =	vimm.f32 $-Inf;
	s30 =	sadd.s32 $0xFFFFFFFF, s26;
	s31 =	simm.s32 $0x80;
	v7 =	vld [tilespmem:s0+$0x0]  }
.LBB2_16:
0xb2: {  	p2 =	sne.s32 s30, $0x1  }
.Ltmp13:
0xb3: {  	_ = 	snop;
	(pc) =	sbr.rel @p2 .LBB2_16-.Ltmp13, $3  }
0xb4: {  	_ =	sdelay $0x1  }
0xb5: {  	s30 =	sadd.s32 $0xFFFFFFFF, s30;
	s31 =	sadd.s32 $0x10, s31;
	v6 =	vmax.f32 v6, v7  }
0xb6: {  	v7 =	vld [tilespmem:s31+$0x0]  }
.LBB2_17:
0xb7: {  	_ =	sdelay $0x3  }
0xb8: {  	v6 =	vmax.f32 v6, v7  }
0xb9: {  	(xrf0) =	vmax.scan.msk.f32 $0xffff, v6;
	_ =	sdelay $0x3  }
0xba: {  	v8 =	vld [tilespmem:s0+$0x0]  }
.Ltmp14:
0xbb: {  	_ = 	snop;
	(pc) =	sbr.rel @!p1 .LBB2_19-.Ltmp14, $4  }
0xbc: {  	v6, _, _ =	vpop (xrf0)  }
0xbd: {  	v7 =	vbroadcast v6, $0xF  }
0xbe: {  	s30 =	simm.s32 $0x0  }
0xbf: {  	s31 =	sadd.s32 $0xFFFFFFFF, s26;
	s0 =	simm.s32 $0x90;
	v6 =	vimm.s32 $0x40000000;
	vm4 =	veq.f32 v8, v7;
	v8 =	vor.u32 s30, v0  }
.LBB2_18:
0xc0: {  	v9 =	vld [tilespmem:s0+$0x0];
	p1 =	sne.s32 s31, $0x1;
	s31 =	sadd.s32 $0xFFFFFFFF, s31;
	v8 =	vnsel vm4, $0x40000000, v8  }
.Ltmp15:
0xc1: {  	vm4 =	vlt.s32 v6, v8;
	(pc) =	sbr.rel @p1 .LBB2_18-.Ltmp15, $3  }
0xc2: {  	v6 =	vsel vm4, v6, v8;
	_ =	sdelay $0x1  }
0xc3: {  	s30 =	sadd.s32 $0x10, s30  }
0xc4: {  	s0 =	sadd.s32 $0x10, s0;
	v8 =	vor.u32 s30, v0;
	vm4 =	veq.f32 v9, v7  }
.LBB2_19:
.Ltmp16:
0xc5: {  	(pc) =	sbr.rel .LBB2_20-.Ltmp16, $4  }
0xc6: {  	v7 =	vnsel vm4, $0x40000000, v8  }
0xc7: {  	vm4 =	vlt.s32 v6, v7  }
0xc8: {  	v6 =	vsel vm4, v6, v7  }
0xc9: {  	v6 =	vxor.u32 $0x80000000, v6  }
.LBB2_21:
0xca: {  	v3 =	vbroadcast v3, $0x0;
	_ =	sdelay $0x1  }
0xcb: {  	[tilespmem:$0xE080] =	vst v5;
	vm4 =	vgt.s32 v3, v0  }
0xcc: {  	[tilespmem:$0xE090] =	vst v4;
	v4 =	vsel vm4, $0x3F800000, v2;
	vm4 =	vgt.s32 v3, v1  }
0xcd: {  	[tilespmem:$0x10100] =	vst v4;
	v3 =	vsel vm4, $0x3F800000, v2  }
0xce: {  	[tilespmem:$0x10110] =	vst v3  }
0xcf: {  	[tilespmem:s21], [sflag:$0x1] =	stream.indirect.gather [hbm4b:s2+s19], $0x80, s20, s19, $0xb8;
	[tilespmem:$0x10180] =	vst v63  }
0xd0: {  	_ = 	snop  }
0xd1: {  	[tilespmem:s22], [sflag:$0x1] =	stream.indirect.gather [hbm4b:s6+s19], $0x80, s20, s19, $0xb8;
	[tilespmem:$0x10180] =	vst v63  }
0xd2: {  	_ =	swait.ge [sflag:s18], $0x1000  }
0xd3: {  	[sflag:s18] =	ssyncset.done $0x0  }
0xd4: {  	[sflag:s18] =	ssyncadd.s32 $0xFFFFF000  }
0xd5: {  	_ =	swait.ge [sflag:s18], $0x1000  }
0xd6: {  	[sflag:s18] =	ssyncset.done $0x0  }
0xd7: {  	[sflag:s18] =	ssyncadd.s32 $0xFFFFF000  }
0xd8: {  	[hbm4b:s9+s3] =	stream.linear.scatter [tilespmem:s21], [sflag:$0x2], $0x1000, $0x38;
	[tilespmem:$0x10180] =	vst v63  }
0xd9: {  	_ =	swait.ge [sflag:s17], $0x1000  }
0xda: {  	[sflag:s17] =	ssyncset.done $0x0  }
0xdb: {  	[sflag:s17] =	ssyncadd.s32 $0xFFFFF000  }
0xdc: {  	[hbm4b:s10+s3] =	stream.linear.scatter [tilespmem:s22], [sflag:$0x2], $0x1000, $0x38;
	[tilespmem:$0x10180] =	vst v63  }
0xdd: {  	_ =	swait.ge [sflag:s17], $0x1000  }
0xde: {  	[sflag:s17] =	ssyncset.done $0x0  }
0xdf: {  	[sflag:s17] =	ssyncadd.s32 $0xFFFFF000  }
0xe0: {  	[hbm4b:s12+s3] =	stream.linear.scatter [tilespmem:s23], [sflag:$0x2], $0x20, $0x38;
	[tilespmem:$0x10180] =	vst v63  }
0xe1: {  	_ =	swait.ge [sflag:s17], $0x20  }
0xe2: {  	[sflag:s17] =	ssyncset.done $0x0  }
0xe3: {  	[sflag:s17] =	ssyncadd.s32 $0xFFFFFFE0  }
0xe4: {  	v3 =	vld [tilespmem:$0x0];
	_ =	sdelay $0x1  }
0xe5: {  	v4 =	vld [tilespmem:$0x10]  }
0xe6: {  	v5 =	vld [tilespmem:$0x20];
	_ =	sdelay $0x1  }
0xe7: {  	v6 =	vld [tilespmem:$0x30];
	v3 =	vcvt.s32.f32 v3;
	_ =	sdelay $0x1  }
0xe8: {  	(xrf2) =	vadd.scan.msk.f32 $0xffff, v3;
	v3 =	vcvt.s32.f32 v4  }
0xe9: {  	v4 =	vcvt.s32.f32 v5  }
0xea: {  	(xrf2) =	vadd.scan.msk.f32 $0xffff, v3  }
0xeb: {  	v3 =	vnsel vm3, $0x0, v4;
	v4 =	vcvt.s32.f32 v6  }
0xec: {  	(xrf2) =	vadd.scan.msk.f32 $0xffff, v3  }
0xed: {  	v3 =	vld [tilespmem:s11+$0x0];
	v4 =	vnsel vm2, $0x0, v4  }
0xee: {  	(xrf2) =	vadd.scan.msk.f32 $0xffff, v4;
	_ =	sdelay $0x3  }
0xef: {  	(v2sf) =	vpush v3, $0x0;
	v4, _, _ =	vpop (xrf2)  }
0xf0: {  	(v2sf) =	vpush v4, $0xF  }
0xf1: {  	v4, _, _ =	vpop (xrf2)  }
0xf2: {  	(v2sf) =	vpush v4, $0xF  }
0xf3: {  	v4, _, _ =	vpop (xrf2)  }
0xf4: {  	(v2sf) =	vpush v4, $0xF  }
0xf5: {  	v4, _, _ =	vpop (xrf2)  }
0xf6: {  	(v2sf) =	vpush v4, $0xF;
	_ =	sdelay $0x7  }
0xf7: {  	s0 =	spop (v2sf)  }
0xf8: {  	s4 =	spop (v2sf)  }
0xf9: {  	s4 =	sadd.f32 $0.0e+00, s4  }
0xfa: {  	s25 =	spop (v2sf)  }
0xfb: {  	s4 =	sadd.f32 s25, s4  }
0xfc: {  	s31 =	spop (v2sf)  }
0xfd: {  	s4 =	sadd.f32 s31, s4  }
0xfe: {  	s26 =	spop (v2sf)  }
0xff: {  	s4 =	sadd.f32 s26, s4;
	_ =	sdelay $0x1  }
0x100: {  	s29 =	scvt.f32.s32 s4;
	_ =	sdelay $0x1  }
0x101: {  	s4 =	sand.u32 $0x7, s29  }
0x102: {  	s31 =	sshra.s32 s29, $0x1F;
	p0 =	slt.s32 s29, $0x1;
	p1 =	sne.s32 s4, $0x0  }
0x103: {  	s25 =	sshrl.u32 s31, $0x1D;
	p0 =	por !p0, !p1  }
0x104: {  	s4 =	sadd.s32 s25, s29;
	s25 =	simm.s32 $0x1;
	p0 =	por !p0, !p0  }
0x105: {  	s4 =	sshrl.u32 s4, $0x3;
	s25 =	simm.s32 @!p0 $0x0  }
0x106: {  	s4 =	ssub.s32 s4, s25  }
0x107: {  	s30 =	sadd.s32 s29, s0;
	s25 =	sshll.u32 s4, $0x3  }
0x108: {  	s28 =	ssub.s32 s30, s25  }
0x109: {  	s0 =	sadd.s32 $0x7FF, s28  }
0x10a: {  	s26 =	sand.u32 $0x7FF, s0  }
0x10b: {  	s31 =	sshra.s32 s0, $0x1F;
	p6 =	slt.s32 s0, $0x1;
	p5 =	sne.s32 s26, $0x0  }
0x10c: {  	s4 =	sshrl.u32 s31, $0x15;
	p0 =	por !p6, !p5  }
0x10d: {  	s0 =	sadd.s32 s4, s0;
	s4 =	simm.s32 $0x1;
	p0 =	por !p0, !p0  }
0x10e: {  	s0 =	sshra.s32 s0, $0xB;
	s4 =	simm.s32 @!p0 $0x0  }
0x10f: {  	s0 =	ssub.s32 s0, s4  }
0x110: {  	p0 =	sgt.s32 s0, $0x0  }
.Ltmp17:
0x111: {  	_ = 	snop;
	(pc) =	sbr.rel @!p0 .LBB2_22-.Ltmp17, $2  }
0x112: {  	_ =	sdelay $0x2  }
0x113: {  	s26 =	simm.s32 $0x80  }
0x114: {  	p0 =	seq.s32 s0, $0x1  }
.Ltmp18:
0x115: {  	_ = 	snop;
	(pc) =	sbr.rel @p0 .LBB2_27-.Ltmp18, $4  }
0x116: {  	s4 =	sshrl.u32 s25, $0x3  }
0x117: {  	s4 =	sadd.s32 s5, s4  }
0x118: {  	[tilespmem:s26], [sflag:$0x2] =	stream.linear.gather [hbm4b:s4+s3], $0x800, $0x38;
	[tilespmem:$0x10180] =	vst v63  }
0x119: {  	s31 =	sadd.s32 $0xFFFFFFFF, s0;
	s0 =	sadd.s32 $0x800, s25;
	_ =	swait.ge [sflag:s17], $0x800  }
.LBB2_26:
0x11a: {  	s4 =	sshrl.u32 s0, $0x3  }
0x11b: {  	[sflag:s17] =	ssyncset.done $0x0;
	s26 =	sadd.s32 $0x800, s26;
	p0 =	seq.s32 s31, $0x1  }
.Ltmp19:
0x11c: {  	s4 =	sadd.s32 s5, s4;
	[sflag:s17] =	ssyncadd.s32 $0xFFFFF800;
	(pc) =	sbr.rel @!p0 .LBB2_26-.Ltmp19, $3  }
0x11d: {  	[tilespmem:s26], [sflag:$0x2] =	stream.linear.gather [hbm4b:s4+s3], $0x800, $0x38;
	[tilespmem:$0x10180] =	vst v63  }
0x11e: {  	s31 =	sadd.s32 $0xFFFFFFFF, s31;
	_ =	sdelay $0x1  }
0x11f: {  	s0 =	sadd.s32 $0x800, s0;
	_ =	swait.ge [sflag:s17], $0x800  }
.LBB2_27:
0x120: {  	[sflag:s17] =	ssyncset.done $0x0  }
0x121: {  	[sflag:s17] =	ssyncadd.s32 $0xFFFFF800  }
.LBB2_22:
0x122: {  	s0 =	sadd.s32 $0xF, s28  }
0x123: {  	s4 =	sand.u32 $0xF, s0  }
0x124: {  	s26 =	sshra.s32 s0, $0x1F;
	p0 =	slt.s32 s0, $0x1;
	p1 =	sne.s32 s4, $0x0  }
0x125: {  	s31 =	sshrl.u32 s26, $0x1C;
	p0 =	por !p0, !p1  }
0x126: {  	s4 =	simm.s32 $0x1;
	s0 =	sadd.s32 s31, s0;
	p0 =	por !p0, !p0  }
0x127: {  	s0 =	sshra.s32 s0, $0x4;
	s4 =	simm.s32 @!p0 $0x0  }
0x128: {  	s26 =	ssub.s32 s0, s4  }
0x129: {  	p0 =	slt.s32 s26, $0x1  }
.Ltmp20:
0x12a: {  	_ = 	snop;
	(pc) =	sbr.rel @p0 .LBB2_32-.Ltmp20, $1  }
0x12b: {  	_ =	sdelay $0x3  }
0x12c: {  	p2 =	seq.s32 s26, $0x1  }
.Ltmp21:
0x12d: {  	_ = 	snop;
	(pc) =	sbr.rel @p2 .LBB2_24-.Ltmp21, $3  }
0x12e: {  	_ =	sdelay $0x1  }
0x12f: {  	v4 =	vmov s29;
	s29 =	simm.s32 $0x80  }
0x130: {  	v5 =	vmov s30;
	s0 =	sadd.s32 $0xFFFFFFFF, s26;
	p1 =	por $0x0, $0x0;
	v6 =	vld [tilespmem:s29+$0x0]  }
0x131: {  	_ = 	snop  }
0x132: {  	v7 =	vadd.s32 s25, v0;
	p2 =	seq.s32 s0, $0x1  }
.Ltmp22:
0x133: {  	vm4 =	vge.s32 v7, v4;
	vm5 =	vlt.s32 v7, v5;
	(pc) =	sbr.rel @p2 .LBB2_29-.Ltmp22, $4  }
0x134: {  	vm4 =	vmand vm4, vm5  }
0x135: {  	v6 =	vnsel vm4, $0xFF800000, v6  }
0x136: {  	[tilespmem:s29+$0x0] =	vst v6;
	s29 =	simm.s32 $0x90  }
0x137: {  	s31 =	sadd.s32 $0xFFFFFFFF, s0;
	p1 =	por $0x1, $0x1;
	s30 =	smov.u32 s25;
	v6 =	vld [tilespmem:s29+$0x0]  }
.LBB2_30:
0x138: {  	p2 =	seq.s32 s31, $0x1;
	s30 =	sadd.s32 $0x10, s30  }
0x139: {  	v7 =	vadd.s32 s30, v0  }
.Ltmp23:
0x13a: {  	vm4 =	vge.s32 v7, v4;
	vm5 =	vlt.s32 v7, v5;
	(pc) =	sbr.rel @!p2 .LBB2_30-.Ltmp23, $4  }
0x13b: {  	vm4 =	vmand vm4, vm5  }
0x13c: {  	v6 =	vnsel vm4, $0xFF800000, v6  }
0x13d: {  	[tilespmem:s29+$0x0] =	vst v6;
	s29 =	sadd.s32 $0x10, s29  }
0x13e: {  	s31 =	sadd.s32 $0xFFFFFFFF, s31;
	v6 =	vld [tilespmem:s29+$0x0]  }
.LBB2_31:
0x13f: {  	s0 =	sadd.s32 @p1 $0x10, s30;
	s4 =	smov.u32 s25  }
0x140: {  	s4 =	smov.u32 @p1 s0  }
0x141: {  	v7 =	vadd.s32 s4, v0  }
0x142: {  	vm4 =	vge.s32 v7, v4;
	vm5 =	vlt.s32 v7, v5  }
0x143: {  	vm4 =	vmand vm4, vm5  }
0x144: {  	v4 =	vnsel vm4, $0xFF800000, v6  }
0x145: {  	[tilespmem:s29+$0x0] =	vst v4  }
.LBB2_32:
.Ltmp24:
0x146: {  	(pc) =	sbr.rel .LBB2_33-.Ltmp24, $4  }
0x147: {  	_ = 	snop  }
0x148: {  	s28 =	sadd.s32 $0xFFFFFFFF, s28  }
0x149: {  	p1 =	sgt.s32 s28, $0x0  }
0x14a: {  	s29 =	simm.s32 $0x0;
	v4 =	vimm.s32 $0x0;
	v5 =	vimm.s32 $0x0;
	s28 =	simm.s32 @!p1 $0x0  }
.LBB2_34:
0x14b: {  	v6 =	vimm.s32 $0xC0000000  }
.LBB2_40:
0x14c: {  	(xrf0) =	vmin.scan.msk.u32 $0xffff, v6;
	_ =	sdelay $0x5  }
0x14d: {  	v6, _, _ =	vpop (xrf0)  }
0x14e: {  	(v2sf) =	vpush v6, $0xF;
	_ =	sdelay $0xe  }
0x14f: {  	s0 =	spop (v2sf)  }
0x150: {  	s4 =	sxor.u32 $0x80000000, s0  }
0x151: {  	s30 =	smov.u32 s28;
	p1 =	slt.s32 s4, s28  }
0x152: {  	s30 =	smov.u32 @p1 s4  }
0x153: {  	s4 =	sshra.s32 s30, $0x1F  }
0x154: {  	s4 =	sshrl.u32 s4, $0x1C  }
0x155: {  	s4 =	sadd.s32 s4, s30  }
0x156: {  	p2 =	sgt.s32 s0, $0xFFFFFFFF;
	p1 =	slt.s32 s30, $0x1;
	s31 =	sand.u32 $0xFFFFFFF0, s4  }
0x157: {  	p1 =	por p2, p1;
	p6 =	sne.s32 s30, s31  }
0x158: {  	p1 =	por !p1, !p6  }
0x159: {  	s0 =	simm.s32 $0x1;
	p1 =	por !p1, !p1  }
0x15a: {  	s4 =	sshrl.u32 s4, $0x4;
	s0 =	simm.s32 @!p1 $0x0  }
0x15b: {  	s0 =	ssub.s32 s4, s0  }
0x15c: {  	s0 =	sshll.u32 s0, $0x6  }
0x15d: {  	s4 =	sand.u32 $0xF, s30;
	s30 =	sadd.s32 s25, s30;
	s0 =	sshra.s32 s0, $0x2  }
0x15e: {  	v7 =	vmov s29;
	s31 =	sadd.s32 $0xFFFFFFF0, s29;
	s29 =	sadd.s32 $0x1, s29;
	p1 =	slt.s32 s30, $0xC34F;
	v6 =	vld [tilespmem:s0+$0x80]  }
0x15f: {  	s30 =	simm.s32 @!p1 $0xC34F;
	p1 =	sne.s32 s29, $0x20  }
.Ltmp25:
0x160: {  	_ = 	snop;
	(pc) =	sbr.rel @!p1 .LBB2_41-.Ltmp25, $4  }
0x161: {  	v8 =	vmov s4  }
0x162: {  	v63 =	vmov s31;
	vm4 =	veq.s32 v8, v0  }
0x163: {  	vm5 =	veq.s32 v7, v0;
	v6 =	vsel vm4, $0xFF800000, v6;
	vm4 =	veq.s32 v63, v0  }
0x164: {  	v5 =	vsel vm5, s30, v5;
	v4 =	vsel vm4, s30, v4;
	[tilespmem:s0+$0x80] =	vst v6  }
.LBB2_33:
.Ltmp26:
0x165: {  	(pc) =	sbr.rel @p0 .LBB2_34-.Ltmp26, $1  }
0x166: {  	_ =	sdelay $0x3  }
0x167: {  	p1 =	sne.s32 s26, $0x1  }
.Ltmp27:
0x168: {  	_ = 	snop;
	(pc) =	sbr.rel @!p1 .LBB2_37-.Ltmp27, $3  }
0x169: {  	_ =	sdelay $0x1  }
0x16a: {  	s0 =	simm.s32 $0x80  }
0x16b: {  	v6 =	vimm.f32 $-Inf;
	s30 =	sadd.s32 $0xFFFFFFFF, s26;
	s31 =	simm.s32 $0x80;
	v7 =	vld [tilespmem:s0+$0x0]  }
.LBB2_36:
0x16c: {  	p2 =	sne.s32 s30, $0x1  }
.Ltmp28:
0x16d: {  	_ = 	snop;
	(pc) =	sbr.rel @p2 .LBB2_36-.Ltmp28, $3  }
0x16e: {  	_ =	sdelay $0x1  }
0x16f: {  	s30 =	sadd.s32 $0xFFFFFFFF, s30;
	s31 =	sadd.s32 $0x10, s31;
	v6 =	vmax.f32 v6, v7  }
0x170: {  	v7 =	vld [tilespmem:s31+$0x0]  }
.LBB2_37:
0x171: {  	_ =	sdelay $0x3  }
0x172: {  	v6 =	vmax.f32 v6, v7  }
0x173: {  	(xrf0) =	vmax.scan.msk.f32 $0xffff, v6;
	_ =	sdelay $0x3  }
0x174: {  	v8 =	vld [tilespmem:s0+$0x0]  }
.Ltmp29:
0x175: {  	_ = 	snop;
	(pc) =	sbr.rel @!p1 .LBB2_39-.Ltmp29, $4  }
0x176: {  	v6, _, _ =	vpop (xrf0)  }
0x177: {  	v7 =	vbroadcast v6, $0xF  }
0x178: {  	s30 =	simm.s32 $0x0  }
0x179: {  	s31 =	sadd.s32 $0xFFFFFFFF, s26;
	s0 =	simm.s32 $0x90;
	v6 =	vimm.s32 $0x40000000;
	vm4 =	veq.f32 v8, v7;
	v8 =	vor.u32 s30, v0  }
.LBB2_38:
0x17a: {  	v9 =	vld [tilespmem:s0+$0x0];
	p1 =	sne.s32 s31, $0x1;
	s31 =	sadd.s32 $0xFFFFFFFF, s31;
	v8 =	vnsel vm4, $0x40000000, v8  }
.Ltmp30:
0x17b: {  	vm4 =	vlt.s32 v6, v8;
	(pc) =	sbr.rel @p1 .LBB2_38-.Ltmp30, $3  }
0x17c: {  	v6 =	vsel vm4, v6, v8;
	_ =	sdelay $0x1  }
0x17d: {  	s30 =	sadd.s32 $0x10, s30  }
0x17e: {  	s0 =	sadd.s32 $0x10, s0;
	v8 =	vor.u32 s30, v0;
	vm4 =	veq.f32 v9, v7  }
.LBB2_39:
.Ltmp31:
0x17f: {  	(pc) =	sbr.rel .LBB2_40-.Ltmp31, $4  }
0x180: {  	v7 =	vnsel vm4, $0x40000000, v8  }
0x181: {  	vm4 =	vlt.s32 v6, v7  }
0x182: {  	v6 =	vsel vm4, v6, v7  }
0x183: {  	v6 =	vxor.u32 $0x80000000, v6  }
.LBB2_4:
.Ltmp32:
0x184: {  	(pc) =	sbr.rel .LBB2_11-.Ltmp32, $2  }
0x185: {  	_ =	sdelay $0x2  }
0x186: {  	s30 =	smov.u32 s25  }
.LBB2_24:
.Ltmp33:
0x187: {  	(pc) =	sbr.rel .LBB2_31-.Ltmp33, $2  }
0x188: {  	_ =	sdelay $0x2  }
0x189: {  	s30 =	smov.u32 s25  }
.LBB2_9:
.Ltmp34:
0x18a: {  	(pc) =	sbr.rel .LBB2_11-.Ltmp34, $2  }
0x18b: {  	_ =	sdelay $0x2  }
0x18c: {  	s30 =	smov.u32 s25  }
.LBB2_29:
.Ltmp35:
0x18d: {  	(pc) =	sbr.rel .LBB2_31-.Ltmp35, $2  }
0x18e: {  	_ =	sdelay $0x2  }
0x18f: {  	s30 =	smov.u32 s25  }
.LBB2_42:
0x190: {  	_ =	sfence.sel $0x180000  }
0x191: {  	[bflag:$0x0] =	sbarrier.arrive $0xFFFF  }
0x192: {  	_ =	strace $0x90000047  }
0x193: {  	s0 =	stileid.u32;
	[bflag:$0x2] =	sbarrier.arrive $0xFFFF  }
0x194: {  	p0 =	sne.s32 s0, $0x0;
	s0 =	rddreg [dreg:$0x4]  }
0x195: {  	s0 =	sadd.s32 @!p0 $0x100000, s0  }
0x196: {  	[sflag:s0] =	ssyncadd.tile.s32 @!p0 $0x1;
	_ =	shalt  }
.Lfunc_end2:
_tile_overlayer_lowered:
.L_overlay_start_2:
0x197: {  	(tag) =	ssettag $0x2  }
0x198: {  	s0 =	rddreg [dreg:$0x0];
	s2 =	stileid.u32  }
0x199: {  	s1 =	rddreg [dreg:$0x1];
	p0 =	sne.s32 s2, $0x0  }
0x19a: {  	s3 =	rddreg [dreg:$0x2];
	[bflag:$0x3] =	sbarrier.arrive $0xFFFF;
	s2 =	simm.s32 @!p0 $0x1C02  }
0x19b: {  	[timem:s3], [sflag:s2] =	dma.local @!p0 [hbm:s0], s1  }
0x19c: {  	s0 =	simm.s32 @!p0 $0x2  }
0x19d: {  	_ =	swait.ge @!p0 [sflag:s0], s1  }
0x19e: {  	s1 =	ssub.s32 @!p0 $0x0, s1;
	[sflag:s0] =	ssyncset.done @!p0 $0x0  }
0x19f: {  	[sflag:s0] =	ssyncadd.s32 @!p0 s1  }
0x1a0: {  	[bflag:$0x3] =	sbarrier.arrive $0xFFFF  }
0x1a1: {  	_ =	shalt  }

</sc_bundles>
